<compile_context>
chip_gen: v7x
topology: tpu7x:2x2x1
jax: 0.10.2.dev20260603
libtpu: 0.0.44.dev20260713+nightly
codegen_flags: <defaults>
</compile_context>

<pallas_src>
import functools

import jax
import jax.numpy as jnp
from jax import lax
from jax.experimental import pallas as pl
from jax.experimental.pallas import tpu as pltpu
from jax.experimental.pallas import tpu_sc as plsc

N, D, H, E = 32768, 768, 768, 8
BLKA = 1024
SEG = 512
P = 2 * N + E * SEG
NB_C = P // SEG
NC, NS = 2, 16
NW = NC * NS
B_PER_W = N // NW
G = 16
N_G = B_PER_W // G


def _route_block(x_ref, wg_ref, bg_ref,
                 e0_ref, e1_ref, w0_ref, w1_ref, r0_ref, r1_ref, cnt_ref,
                 carry):
    i = pl.program_id(0)

    @pl.when(i == 0)
    def _():
        carry[...] = jnp.zeros((1, E), jnp.int32)

    xb16 = x_ref[...].astype(jnp.bfloat16)
    logits = jnp.dot(xb16, wg_ref[...],
                     preferred_element_type=jnp.float32) + bg_ref[...]
    m = jnp.max(logits, axis=-1, keepdims=True)
    ex = jnp.exp(logits - m)
    gw = ex / jnp.sum(ex, axis=-1, keepdims=True)

    iota = lax.broadcasted_iota(jnp.int32, gw.shape, 1)
    w1 = jnp.max(gw, axis=-1, keepdims=True)
    i1 = jnp.min(jnp.where(gw == w1, iota, E), axis=-1, keepdims=True)
    sel1 = iota == i1
    w_rest = jnp.where(sel1, -jnp.inf, gw)
    w2 = jnp.max(w_rest, axis=-1, keepdims=True)
    i2 = jnp.min(jnp.where(w_rest == w2, iota, E), axis=-1, keepdims=True)
    sel2 = iota == i2

    def _cumsum0(a):
        s = a
        k = 1
        while k < a.shape[0]:
            z = jnp.zeros((k, a.shape[1]), a.dtype)
            s = s + jnp.concatenate([z, s[:a.shape[0] - k]], axis=0)
            k *= 2
        return s

    c = carry[...]
    o1 = sel1.astype(jnp.int32)
    o2 = sel2.astype(jnp.int32)
    cum1 = _cumsum0(o1)
    r0 = jnp.sum(o1 * (cum1 - 1 + c), axis=1)
    tot1 = cum1[-1:, :]
    cum2 = _cumsum0(o2)
    r1 = jnp.sum(o2 * (cum2 - 1 + c + tot1), axis=1)
    newc = c + tot1 + cum2[-1:, :]
    carry[...] = newc

    shp = (BLKA // 128, 128)
    e0_ref[...] = i1.reshape(shp)
    e1_ref[...] = i2.reshape(shp)
    w0_ref[...] = w1.reshape(shp)
    w1_ref[...] = w2.reshape(shp)
    r0_ref[...] = r0.reshape(shp)
    r1_ref[...] = r1.reshape(shp)
    cnt_ref[...] = jnp.broadcast_to(newc, (8, E))


def _route(x, wg16, bg2):
    nb = N // BLKA
    rshape = (N // 128, 128)
    blk = pl.BlockSpec((BLKA // 128, 128), lambda i: (i, 0))
    out_shapes = [
        jax.ShapeDtypeStruct(rshape, jnp.int32),
        jax.ShapeDtypeStruct(rshape, jnp.int32),
        jax.ShapeDtypeStruct(rshape, jnp.float32),
        jax.ShapeDtypeStruct(rshape, jnp.float32),
        jax.ShapeDtypeStruct(rshape, jnp.int32),
        jax.ShapeDtypeStruct(rshape, jnp.int32),
        jax.ShapeDtypeStruct((8, E), jnp.int32),
    ]
    return pl.pallas_call(
        _route_block,
        grid=(nb,),
        in_specs=[
            pl.BlockSpec((BLKA, D), lambda i: (i, 0)),
            pl.BlockSpec((D, E), lambda i: (0, 0)),
            pl.BlockSpec((1, E), lambda i: (0, 0)),
        ],
        out_specs=[blk, blk, blk, blk, blk, blk,
                   pl.BlockSpec((8, E), lambda i: (0, 0))],
        out_shape=out_shapes,
        scratch_shapes=[pltpu.VMEM((1, E), jnp.int32)],
    )(x, wg16, bg2)


def _make_dispatch():
    mesh = plsc.VectorSubcoreMesh(core_axis_name="c", subcore_axis_name="s",
                                  num_cores=NC, num_subcores=NS)

    @functools.partial(
        pl.kernel,
        out_type=jax.ShapeDtypeStruct((P, D), jnp.float32),
        mesh=mesh,
        scratch_types=[
            pltpu.VMEM((N_G, G), jnp.int32),
            pltpu.VMEM((N_G, G), jnp.int32),
            pltpu.VMEM((2, G, D), jnp.float32),
            pltpu.SemaphoreType.DMA,
            pltpu.SemaphoreType.DMA,
            pltpu.SemaphoreType.DMA,
        ],
    )
    def dispatch(x_hbm, pos0_hbm, pos1_hbm, xs_hbm,
                 pos0_v, pos1_v, row_v, sem_in, sem0, sem1):
        wid = lax.axis_index("s") * NC + lax.axis_index("c")
        base = wid * B_PER_W
        pltpu.sync_copy(pos0_hbm.at[pl.ds(wid * N_G, N_G)], pos0_v)
        pltpu.sync_copy(pos1_hbm.at[pl.ds(wid * N_G, N_G)], pos1_v)

        cp = pltpu.async_copy(x_hbm.at[pl.ds(base, G)], row_v.at[0], sem_in)
        cp.wait()

        def body(g, _):
            buf = lax.rem(g, 2)
            nxt = lax.rem(g + 1, 2)

            @pl.when(g + 1 < N_G)
            def _():
                pltpu.async_copy(x_hbm.at[pl.ds(base + (g + 1) * G, G)],
                                 row_v.at[nxt], sem_in)
            c0 = pltpu.async_copy(row_v.at[buf], xs_hbm.at[pos0_v.at[g]],
                                  sem0)
            c1 = pltpu.async_copy(row_v.at[buf], xs_hbm.at[pos1_v.at[g]],
                                  sem1)
            c0.wait()
            c1.wait()

            @pl.when(g + 1 < N_G)
            def _():
                pltpu.make_async_copy(x_hbm.at[pl.ds(base, G)],
                                      row_v.at[nxt], sem_in).wait()
            return ()
        lax.fori_loop(0, N_G, body, ())

    return dispatch


def _seg_matmul(bexp_ref, xs_ref, we_ref, be_ref, ys_ref):
    ys_ref[...] = jnp.dot(xs_ref[...].astype(jnp.bfloat16), we_ref[0],
                          preferred_element_type=jnp.float32) + be_ref[0]


def _expert_mm(xs, we16, be, block_e):
    grid_spec = pltpu.PrefetchScalarGridSpec(
        num_scalar_prefetch=1,
        grid=(NB_C,),
        in_specs=[
            pl.BlockSpec((SEG, D), lambda i, bexp: (i, 0)),
            pl.BlockSpec((1, D, H), lambda i, bexp: (bexp[i], 0, 0)),
            pl.BlockSpec((1, 1, H), lambda i, bexp: (bexp[i], 0, 0)),
        ],
        out_specs=pl.BlockSpec((SEG, H), lambda i, bexp: (i, 0)),
    )
    return pl.pallas_call(
        _seg_matmul,
        grid_spec=grid_spec,
        out_shape=jax.ShapeDtypeStruct((P, H), jnp.float32),
    )(block_e, xs, we16, be.reshape(E, 1, H))


def _make_gather():
    mesh = plsc.VectorSubcoreMesh(core_axis_name="c", subcore_axis_name="s",
                                  num_cores=NC, num_subcores=NS)

    @functools.partial(
        pl.kernel,
        out_type=[jax.ShapeDtypeStruct((N, H), jnp.float32),
                  jax.ShapeDtypeStruct((N, H), jnp.float32)],
        mesh=mesh,
        scratch_types=[
            pltpu.VMEM((N_G, G), jnp.int32),
            pltpu.VMEM((N_G, G), jnp.int32),
            pltpu.VMEM((2, G, H), jnp.float32),
            pltpu.VMEM((2, G, H), jnp.float32),
            pltpu.SemaphoreType.DMA,
            pltpu.SemaphoreType.DMA,
        ],
    )
    def gather(ys_hbm, pos0_hbm, pos1_hbm, a_hbm, b_hbm,
               pos0_v, pos1_v, a_v, b_v, sem0, sem1):
        wid = lax.axis_index("s") * NC + lax.axis_index("c")
        base = wid * B_PER_W
        pltpu.sync_copy(pos0_hbm.at[pl.ds(wid * N_G, N_G)], pos0_v)
        pltpu.sync_copy(pos1_hbm.at[pl.ds(wid * N_G, N_G)], pos1_v)

        pltpu.async_copy(ys_hbm.at[pos0_v.at[0]], a_v.at[0], sem0)
        pltpu.async_copy(ys_hbm.at[pos1_v.at[0]], b_v.at[0], sem1)
        pltpu.make_async_copy(ys_hbm.at[pos0_v.at[0]], a_v.at[0], sem0).wait()
        pltpu.make_async_copy(ys_hbm.at[pos1_v.at[0]], b_v.at[0], sem1).wait()

        def body(g, _):
            buf = lax.rem(g, 2)
            nxt = lax.rem(g + 1, 2)

            @pl.when(g + 1 < N_G)
            def _():
                pltpu.async_copy(ys_hbm.at[pos0_v.at[g + 1]], a_v.at[nxt],
                                 sem0)
                pltpu.async_copy(ys_hbm.at[pos1_v.at[g + 1]], b_v.at[nxt],
                                 sem1)

            sl = pl.ds(base + g * G, G)
            pltpu.sync_copy(a_v.at[buf], a_hbm.at[sl])
            pltpu.sync_copy(b_v.at[buf], b_hbm.at[sl])

            @pl.when(g + 1 < N_G)
            def _():
                pltpu.make_async_copy(ys_hbm.at[pos0_v.at[0]], a_v.at[nxt],
                                      sem0).wait()
                pltpu.make_async_copy(ys_hbm.at[pos1_v.at[0]], b_v.at[nxt],
                                      sem1).wait()
            return ()
        lax.fori_loop(0, N_G, body, ())

    return gather


def _combine_block(a_ref, b_ref, w0_ref, w1_ref, y_ref):
    y_ref[...] = w0_ref[...] * a_ref[...] + w1_ref[...] * b_ref[...]


def _combine(a, b, w0c, w1c):
    nb = N // SEG
    blk = pl.BlockSpec((SEG, H), lambda i: (i, 0))
    wblk = pl.BlockSpec((SEG, 1), lambda i: (i, 0))
    return pl.pallas_call(
        _combine_block,
        grid=(nb,),
        in_specs=[blk, blk, wblk, wblk],
        out_specs=blk,
        out_shape=jax.ShapeDtypeStruct((N, H), jnp.float32),
    )(a, b, w0c, w1c)


_make_dispatch = functools.cache(_make_dispatch)
_make_gather = functools.cache(_make_gather)


@jax.jit
def kernel(x, Wg, bg, We, be):
    wg16 = Wg.astype(jnp.bfloat16)
    we16 = We.astype(jnp.bfloat16)
    bg2 = bg.reshape(1, E)

    e0, e1, w0, w1, r0, r1, cnt = _route(x, wg16, bg2)
    counts = cnt[0]
    padded = ((counts + SEG - 1) // SEG) * SEG
    csum = jnp.cumsum(padded)
    offs = jnp.concatenate([jnp.zeros((1,), jnp.int32),
                            csum[:-1]]).astype(jnp.int32)
    block_e = jnp.repeat(jnp.arange(E, dtype=jnp.int32), padded // SEG,
                         total_repeat_length=NB_C)

    e0f, e1f = e0.reshape(N), e1.reshape(N)
    r0f, r1f = r0.reshape(N), r1.reshape(N)
    pos0 = (offs[e0f] + r0f).reshape(NW * N_G, G)
    pos1 = (offs[e1f] + r1f).reshape(NW * N_G, G)

    xs = _make_dispatch()(x, pos0, pos1)
    ys = _expert_mm(xs, we16, be, block_e)
    a, b = _make_gather()(ys, pos0, pos1)
    y = _combine(a, b, w0.reshape(N, 1), w1.reshape(N, 1))
    return y

# --- scband reference (transcript-rebuilt; emitter-appended) ---
"""Pipeline reference for scband-linear-mo-e-44487271252124 (READ-ONLY COPY).

The authoritative reference and input builder live on the scoring server;
editing this copy changes nothing except your own understanding.
"""

import jax, jax.numpy as jnp
import numpy as np

N, D, H, E, TOP_K = 32768, 768, 768, 8, 2


def setup_inputs(seed: int = 0) -> dict:
    key = jax.random.key(seed)
    k1, k2, k3 = jax.random.split(key, 3)
    x = jax.random.normal(k1, (N, D), dtype=jnp.float32)
    # gating network: Dense(E), RandomNormal(stddev=0.001), zero bias
    Wg = jax.random.normal(k2, (D, E), dtype=jnp.float32) * 0.001
    bg = jnp.zeros((E,), dtype=jnp.float32)
    # experts: E x Dense(H), RandomNormal(stddev=0.001), zero bias
    We = jax.random.normal(k3, (E, D, H), dtype=jnp.float32) * 0.001
    be = jnp.zeros((E, H), dtype=jnp.float32)
    return {"x": x, "Wg": Wg, "bg": bg, "We": We, "be": be}


def reference(x, Wg, bg, We, be):
    # gating: softmax over expert logits
    gating_logits = x @ Wg + bg
    gating_weights = jax.nn.softmax(gating_logits, axis=-1)

    # auxiliary losses (computed as side quantities in the original call; not returned)
    entropy = -jnp.sum(gating_weights * jnp.log(gating_weights + 1e-10), axis=1)
    _diversity_loss = -jnp.mean(entropy)
    batch_importance_sum = jnp.sum(gating_weights, axis=0)
    mean_importance = jnp.mean(batch_importance_sum)
    _importance_loss = jnp.mean(jnp.square(batch_importance_sum - mean_importance))

    # top-k routing
    top_k_weights, top_k_indices = jax.lax.top_k(gating_weights, TOP_K)

    # expert usage count (stateful bookkeeping in original; scatter-add over expert ids)
    _usage = jnp.zeros((E,), dtype=jnp.float32).at[top_k_indices.reshape(-1)].add(1.0)

    # dense computation of all experts, then gather top-k per token
    expert_outputs = jnp.einsum('nd,edh->neh', x, We) + be[None, :, :]  # [N, E, H]
    top_k_expert_outputs = jnp.take_along_axis(expert_outputs, top_k_indices[:, :, None], axis=1)  # [N, K, H]
    combined_output = jnp.sum(top_k_expert_outputs * top_k_weights[:, :, None], axis=1)  # [N, H]
    return combined_output

if __name__ == "__main__":
    import jax
    _d = setup_inputs()
    print(jax.jit(kernel)(*tuple(_d.values())))

</pallas_src>

<mosaic_0001>
#map = affine_map<(d0, d1) -> (0, 0)>
module attributes {stable_mosaic.version = 14 : i64} {
  func.func @gather(%arg0: i32, %arg1: i32, %arg2: memref<69632x768xf32, #tpu.memory_space<hbm>>, %arg3: memref<2048x16xi32, #tpu.memory_space<hbm>>, %arg4: memref<2048x16xi32, #tpu.memory_space<hbm>>, %arg5: memref<32768x768xf32, #tpu.memory_space<hbm>>, %arg6: memref<32768x768xf32, #tpu.memory_space<hbm>>, %arg7: memref<64x16xi32, #tpu.memory_space<vmem>>, %arg8: memref<64x16xi32, #tpu.memory_space<vmem>>, %arg9: memref<2x16x768xf32, #tpu.memory_space<vmem>>, %arg10: memref<2x16x768xf32, #tpu.memory_space<vmem>>, %arg11: memref<!tpu.dma_semaphore, #tpu.memory_space<semaphore_mem>>, %arg12: memref<!tpu.dma_semaphore, #tpu.memory_space<semaphore_mem>>) attributes {dimension_semantics = [#tpu.dimension_semantics<core_parallel>, #tpu.dimension_semantics<subcore_parallel>], iteration_bounds = array<i64: 2, 16>, scalar_prefetch = 0 : i64, scratch_operands = 6 : i64, tpu.core_type = #tpu.core_type<sc_vector_subcore>, window_params = [{transform_indices = #map}, {transform_indices = #map}, {transform_indices = #map}, {transform_indices = #map}, {transform_indices = #map}]} {
    %mul3A = arith.constant 2 : i32
    %mul3A_0 = arith.muli %arg1, %mul3A : i32
    %add3A = arith.addi %mul3A_0, %arg0 : i32
    %mul3A_1 = arith.constant 1024 : i32
    %mul3A_2 = arith.muli %add3A, %mul3A_1 : i32
    %mul3A_3 = arith.constant 64 : i32
    %mul3A_4 = arith.muli %add3A, %mul3A_3 : i32
    "tpu.region"() ({
      %run_scoped3A = tpu.sem_alloc : memref<!tpu.dma_semaphore, #tpu.memory_space<semaphore_mem>>
      %dma_start3A_57 = arith.constant 0 : i32
      %dma_start3A_58 = tpu.memref_slice %arg3[%mul3A_4, %dma_start3A_57] : memref<2048x16xi32, #tpu.memory_space<hbm>> -> memref<64x16xi32, #tpu.memory_space<hbm>>
      %dma_start3A_59 = arith.constant 0 : i32
      %dma_start3A_60 = tpu.memref_slice %arg3[%mul3A_4, %dma_start3A_59] : memref<2048x16xi32, #tpu.memory_space<hbm>> -> memref<64x16xi32, #tpu.memory_space<hbm>>
      tpu.enqueue_dma source(%dma_start3A_60 : memref<64x16xi32, #tpu.memory_space<hbm>>) target(%arg7 : memref<64x16xi32, #tpu.memory_space<vmem>>) target_semaphore(%run_scoped3A : memref<!tpu.dma_semaphore, #tpu.memory_space<semaphore_mem>>)
      %dma_wait3A_61 = arith.constant 0 : i32
      %dma_wait3A_62 = tpu.memref_slice %arg3[%mul3A_4, %dma_wait3A_61] : memref<2048x16xi32, #tpu.memory_space<hbm>> -> memref<64x16xi32, #tpu.memory_space<hbm>>
      %dma_wait3A_63 = arith.constant 0 : i32
      %dma_wait3A_64 = tpu.memref_slice %arg3[%mul3A_4, %dma_wait3A_63] : memref<2048x16xi32, #tpu.memory_space<hbm>> -> memref<64x16xi32, #tpu.memory_space<hbm>>
      tpu.wait_dma2 semaphore(%run_scoped3A : memref<!tpu.dma_semaphore, #tpu.memory_space<semaphore_mem>>) src(%dma_wait3A_64 : memref<64x16xi32, #tpu.memory_space<hbm>>) dst(%arg7 : memref<64x16xi32, #tpu.memory_space<vmem>>)
      tpu.yield
    }) : () -> ()
    %mul3A_5 = arith.constant 64 : i32
    %mul3A_6 = arith.muli %add3A, %mul3A_5 : i32
    "tpu.region"() ({
      %run_scoped3A = tpu.sem_alloc : memref<!tpu.dma_semaphore, #tpu.memory_space<semaphore_mem>>
      %dma_start3A_57 = arith.constant 0 : i32
      %dma_start3A_58 = tpu.memref_slice %arg4[%mul3A_6, %dma_start3A_57] : memref<2048x16xi32, #tpu.memory_space<hbm>> -> memref<64x16xi32, #tpu.memory_space<hbm>>
      %dma_start3A_59 = arith.constant 0 : i32
      %dma_start3A_60 = tpu.memref_slice %arg4[%mul3A_6, %dma_start3A_59] : memref<2048x16xi32, #tpu.memory_space<hbm>> -> memref<64x16xi32, #tpu.memory_space<hbm>>
      tpu.enqueue_dma source(%dma_start3A_60 : memref<64x16xi32, #tpu.memory_space<hbm>>) target(%arg8 : memref<64x16xi32, #tpu.memory_space<vmem>>) target_semaphore(%run_scoped3A : memref<!tpu.dma_semaphore, #tpu.memory_space<semaphore_mem>>)
      %dma_wait3A_61 = arith.constant 0 : i32
      %dma_wait3A_62 = tpu.memref_slice %arg4[%mul3A_6, %dma_wait3A_61] : memref<2048x16xi32, #tpu.memory_space<hbm>> -> memref<64x16xi32, #tpu.memory_space<hbm>>
      %dma_wait3A_63 = arith.constant 0 : i32
      %dma_wait3A_64 = tpu.memref_slice %arg4[%mul3A_6, %dma_wait3A_63] : memref<2048x16xi32, #tpu.memory_space<hbm>> -> memref<64x16xi32, #tpu.memory_space<hbm>>
      tpu.wait_dma2 semaphore(%run_scoped3A : memref<!tpu.dma_semaphore, #tpu.memory_space<semaphore_mem>>) src(%dma_wait3A_64 : memref<64x16xi32, #tpu.memory_space<hbm>>) dst(%arg8 : memref<64x16xi32, #tpu.memory_space<vmem>>)
      tpu.yield
    }) : () -> ()
    %dma_start3A = arith.constant 0 : i32
    %dma_start3A_7 = arith.constant 0 : i32
    %dma_start3A_8 = arith.constant 0 : i32
    %dma_start3A_9 = arith.constant 0 : i32
    %dma_start3A_10 = tpu.memref_slice %arg9[%dma_start3A_7, %dma_start3A_8, %dma_start3A_9] : memref<2x16x768xf32, #tpu.memory_space<vmem>> -> memref<1x16x768xf32, #tpu.memory_space<vmem>>
    %dma_start3A_11 = tpu.memref_squeeze %dma_start3A_10 : memref<1x16x768xf32, #tpu.memory_space<vmem>> -> memref<16x768xf32, #tpu.memory_space<vmem>>
    %dma_start3A_12 = arith.constant 0 : i32
    %dma_start3A_13 = tpu.memref_slice %arg7[%dma_start3A, %dma_start3A_12] : memref<64x16xi32, #tpu.memory_space<vmem>> -> memref<1x16xi32, #tpu.memory_space<vmem>>
    %dma_start3A_14 = tpu.memref_squeeze %dma_start3A_13 : memref<1x16xi32, #tpu.memory_space<vmem>> -> memref<16xi32, #tpu.memory_space<vmem>>
    %dma_start3A_15 = arith.constant 0 : i32
    %dma_start3A_16 = arith.constant 0 : i32
    %dma_start3A_17 = tpu.memref_slice %arg2[%dma_start3A_15, %dma_start3A_16] : memref<69632x768xf32, #tpu.memory_space<hbm>> -> memref<69632x768xf32, #tpu.memory_space<hbm>>
    tpu.enqueue_indirect_dma source(%dma_start3A_17 : memref<69632x768xf32, #tpu.memory_space<hbm>>) target(%dma_start3A_11 : memref<16x768xf32, #tpu.memory_space<vmem>>) offsets(%dma_start3A_14 : memref<16xi32, #tpu.memory_space<vmem>>) semaphore(%arg11 : memref<!tpu.dma_semaphore, #tpu.memory_space<semaphore_mem>>)
    %dma_start3A_18 = arith.constant 0 : i32
    %dma_start3A_19 = arith.constant 0 : i32
    %dma_start3A_20 = arith.constant 0 : i32
    %dma_start3A_21 = arith.constant 0 : i32
    %dma_start3A_22 = tpu.memref_slice %arg10[%dma_start3A_19, %dma_start3A_20, %dma_start3A_21] : memref<2x16x768xf32, #tpu.memory_space<vmem>> -> memref<1x16x768xf32, #tpu.memory_space<vmem>>
    %dma_start3A_23 = tpu.memref_squeeze %dma_start3A_22 : memref<1x16x768xf32, #tpu.memory_space<vmem>> -> memref<16x768xf32, #tpu.memory_space<vmem>>
    %dma_start3A_24 = arith.constant 0 : i32
    %dma_start3A_25 = tpu.memref_slice %arg8[%dma_start3A_18, %dma_start3A_24] : memref<64x16xi32, #tpu.memory_space<vmem>> -> memref<1x16xi32, #tpu.memory_space<vmem>>
    %dma_start3A_26 = tpu.memref_squeeze %dma_start3A_25 : memref<1x16xi32, #tpu.memory_space<vmem>> -> memref<16xi32, #tpu.memory_space<vmem>>
    %dma_start3A_27 = arith.constant 0 : i32
    %dma_start3A_28 = arith.constant 0 : i32
    %dma_start3A_29 = tpu.memref_slice %arg2[%dma_start3A_27, %dma_start3A_28] : memref<69632x768xf32, #tpu.memory_space<hbm>> -> memref<69632x768xf32, #tpu.memory_space<hbm>>
    tpu.enqueue_indirect_dma source(%dma_start3A_29 : memref<69632x768xf32, #tpu.memory_space<hbm>>) target(%dma_start3A_23 : memref<16x768xf32, #tpu.memory_space<vmem>>) offsets(%dma_start3A_26 : memref<16xi32, #tpu.memory_space<vmem>>) semaphore(%arg12 : memref<!tpu.dma_semaphore, #tpu.memory_space<semaphore_mem>>)
    %dma_wait3A = arith.constant 0 : i32
    %dma_wait3A_30 = arith.constant 0 : i32
    %dma_wait3A_31 = arith.constant 0 : i32
    %dma_wait3A_32 = arith.constant 0 : i32
    %dma_wait3A_33 = tpu.memref_slice %arg9[%dma_wait3A_30, %dma_wait3A_31, %dma_wait3A_32] : memref<2x16x768xf32, #tpu.memory_space<vmem>> -> memref<1x16x768xf32, #tpu.memory_space<vmem>>
    %dma_wait3A_34 = tpu.memref_squeeze %dma_wait3A_33 : memref<1x16x768xf32, #tpu.memory_space<vmem>> -> memref<16x768xf32, #tpu.memory_space<vmem>>
    %dma_wait3A_35 = arith.constant 0 : i32
    %dma_wait3A_36 = tpu.memref_slice %arg7[%dma_wait3A, %dma_wait3A_35] : memref<64x16xi32, #tpu.memory_space<vmem>> -> memref<1x16xi32, #tpu.memory_space<vmem>>
    %dma_wait3A_37 = tpu.memref_squeeze %dma_wait3A_36 : memref<1x16xi32, #tpu.memory_space<vmem>> -> memref<16xi32, #tpu.memory_space<vmem>>
    %dma_wait3A_38 = arith.constant 0 : i32
    %dma_wait3A_39 = arith.constant 0 : i32
    %dma_wait3A_40 = tpu.memref_slice %arg2[%dma_wait3A_38, %dma_wait3A_39] : memref<69632x768xf32, #tpu.memory_space<hbm>> -> memref<69632x768xf32, #tpu.memory_space<hbm>>
    tpu.wait_indirect_dma semaphore(%arg11 : memref<!tpu.dma_semaphore, #tpu.memory_space<semaphore_mem>>) src(%dma_wait3A_40 : memref<69632x768xf32, #tpu.memory_space<hbm>>) dst(%dma_wait3A_34 : memref<16x768xf32, #tpu.memory_space<vmem>>)
    %dma_wait3A_41 = arith.constant 0 : i32
    %dma_wait3A_42 = arith.constant 0 : i32
    %dma_wait3A_43 = arith.constant 0 : i32
    %dma_wait3A_44 = arith.constant 0 : i32
    %dma_wait3A_45 = tpu.memref_slice %arg10[%dma_wait3A_42, %dma_wait3A_43, %dma_wait3A_44] : memref<2x16x768xf32, #tpu.memory_space<vmem>> -> memref<1x16x768xf32, #tpu.memory_space<vmem>>
    %dma_wait3A_46 = tpu.memref_squeeze %dma_wait3A_45 : memref<1x16x768xf32, #tpu.memory_space<vmem>> -> memref<16x768xf32, #tpu.memory_space<vmem>>
    %dma_wait3A_47 = arith.constant 0 : i32
    %dma_wait3A_48 = tpu.memref_slice %arg8[%dma_wait3A_41, %dma_wait3A_47] : memref<64x16xi32, #tpu.memory_space<vmem>> -> memref<1x16xi32, #tpu.memory_space<vmem>>
    %dma_wait3A_49 = tpu.memref_squeeze %dma_wait3A_48 : memref<1x16xi32, #tpu.memory_space<vmem>> -> memref<16xi32, #tpu.memory_space<vmem>>
    %dma_wait3A_50 = arith.constant 0 : i32
    %dma_wait3A_51 = arith.constant 0 : i32
    %dma_wait3A_52 = tpu.memref_slice %arg2[%dma_wait3A_50, %dma_wait3A_51] : memref<69632x768xf32, #tpu.memory_space<hbm>> -> memref<69632x768xf32, #tpu.memory_space<hbm>>
    tpu.wait_indirect_dma semaphore(%arg12 : memref<!tpu.dma_semaphore, #tpu.memory_space<semaphore_mem>>) src(%dma_wait3A_52 : memref<69632x768xf32, #tpu.memory_space<hbm>>) dst(%dma_wait3A_46 : memref<16x768xf32, #tpu.memory_space<vmem>>)
    %scan3A = arith.constant 0 : i32
    %scan3A_53 = arith.constant 64 : i32
    %scan3A_54 = arith.addi %scan3A, %scan3A_53 : i32
    %scan3A_55 = arith.constant 1 : i32
    scf.for %scan3A_57 = %scan3A to %scan3A_54 step %scan3A_55  : i32 {
      %rem3A = arith.constant 2 : i32
      %rem3A_58 = arith.remsi %scan3A_57, %rem3A : i32
      %add3A_59 = arith.constant 1 : i32
      %add3A_60 = arith.addi %scan3A_57, %add3A_59 : i32
      %rem3A_61 = arith.constant 2 : i32
      %rem3A_62 = arith.remsi %add3A_60, %rem3A_61 : i32
      %add3A_63 = arith.constant 1 : i32
      %add3A_64 = arith.addi %scan3A_57, %add3A_63 : i32
      %lt3A = arith.constant 64 : i32
      %lt3A_65 = arith.cmpi slt, %add3A_64, %lt3A : i32
      %convert_element_type3A = arith.extui %lt3A_65 : i1 to i32
      %cond3A = arith.constant 0 : i32
      %cond3A_66 = arith.cmpi ne, %convert_element_type3A, %cond3A : i32
      scf.if %cond3A_66 {
        %add3A_77 = arith.constant 1 : i32
        %add3A_78 = arith.addi %scan3A_57, %add3A_77 : i32
        %dma_start3A_79 = arith.constant 0 : i32
        %dma_start3A_80 = arith.constant 0 : i32
        %dma_start3A_81 = tpu.memref_slice %arg9[%rem3A_62, %dma_start3A_79, %dma_start3A_80] : memref<2x16x768xf32, #tpu.memory_space<vmem>> -> memref<1x16x768xf32, #tpu.memory_space<vmem>>
        %dma_start3A_82 = tpu.memref_squeeze %dma_start3A_81 : memref<1x16x768xf32, #tpu.memory_space<vmem>> -> memref<16x768xf32, #tpu.memory_space<vmem>>
        %dma_start3A_83 = arith.constant 0 : i32
        %dma_start3A_84 = tpu.memref_slice %arg7[%add3A_78, %dma_start3A_83] : memref<64x16xi32, #tpu.memory_space<vmem>> -> memref<1x16xi32, #tpu.memory_space<vmem>>
        %dma_start3A_85 = tpu.memref_squeeze %dma_start3A_84 : memref<1x16xi32, #tpu.memory_space<vmem>> -> memref<16xi32, #tpu.memory_space<vmem>>
        %dma_start3A_86 = arith.constant 0 : i32
        %dma_start3A_87 = arith.constant 0 : i32
        %dma_start3A_88 = tpu.memref_slice %arg2[%dma_start3A_86, %dma_start3A_87] : memref<69632x768xf32, #tpu.memory_space<hbm>> -> memref<69632x768xf32, #tpu.memory_space<hbm>>
        tpu.enqueue_indirect_dma source(%dma_start3A_88 : memref<69632x768xf32, #tpu.memory_space<hbm>>) target(%dma_start3A_82 : memref<16x768xf32, #tpu.memory_space<vmem>>) offsets(%dma_start3A_85 : memref<16xi32, #tpu.memory_space<vmem>>) semaphore(%arg11 : memref<!tpu.dma_semaphore, #tpu.memory_space<semaphore_mem>>)
        %add3A_89 = arith.constant 1 : i32
        %add3A_90 = arith.addi %scan3A_57, %add3A_89 : i32
        %dma_start3A_91 = arith.constant 0 : i32
        %dma_start3A_92 = arith.constant 0 : i32
        %dma_start3A_93 = tpu.memref_slice %arg10[%rem3A_62, %dma_start3A_91, %dma_start3A_92] : memref<2x16x768xf32, #tpu.memory_space<vmem>> -> memref<1x16x768xf32, #tpu.memory_space<vmem>>
        %dma_start3A_94 = tpu.memref_squeeze %dma_start3A_93 : memref<1x16x768xf32, #tpu.memory_space<vmem>> -> memref<16x768xf32, #tpu.memory_space<vmem>>
        %dma_start3A_95 = arith.constant 0 : i32
        %dma_start3A_96 = tpu.memref_slice %arg8[%add3A_90, %dma_start3A_95] : memref<64x16xi32, #tpu.memory_space<vmem>> -> memref<1x16xi32, #tpu.memory_space<vmem>>
        %dma_start3A_97 = tpu.memref_squeeze %dma_start3A_96 : memref<1x16xi32, #tpu.memory_space<vmem>> -> memref<16xi32, #tpu.memory_space<vmem>>
        %dma_start3A_98 = arith.constant 0 : i32
        %dma_start3A_99 = arith.constant 0 : i32
        %dma_start3A_100 = tpu.memref_slice %arg2[%dma_start3A_98, %dma_start3A_99] : memref<69632x768xf32, #tpu.memory_space<hbm>> -> memref<69632x768xf32, #tpu.memory_space<hbm>>
        tpu.enqueue_indirect_dma source(%dma_start3A_100 : memref<69632x768xf32, #tpu.memory_space<hbm>>) target(%dma_start3A_94 : memref<16x768xf32, #tpu.memory_space<vmem>>) offsets(%dma_start3A_97 : memref<16xi32, #tpu.memory_space<vmem>>) semaphore(%arg12 : memref<!tpu.dma_semaphore, #tpu.memory_space<semaphore_mem>>)
      } else {
      }
      %mul3A_67 = arith.constant 16 : i32
      %mul3A_68 = arith.muli %scan3A_57, %mul3A_67 : i32
      %add3A_69 = arith.addi %mul3A_2, %mul3A_68 : i32
      "tpu.region"() ({
        %run_scoped3A = tpu.sem_alloc : memref<!tpu.dma_semaphore, #tpu.memory_space<semaphore_mem>>
        %dma_start3A_77 = arith.constant 0 : i32
        %dma_start3A_78 = arith.constant 0 : i32
        %dma_start3A_79 = tpu.memref_slice %arg9[%rem3A_58, %dma_start3A_77, %dma_start3A_78] : memref<2x16x768xf32, #tpu.memory_space<vmem>> -> memref<1x16x768xf32, #tpu.memory_space<vmem>>
        %dma_start3A_80 = tpu.memref_squeeze %dma_start3A_79 : memref<1x16x768xf32, #tpu.memory_space<vmem>> -> memref<16x768xf32, #tpu.memory_space<vmem>>
        %dma_start3A_81 = arith.constant 0 : i32
        %dma_start3A_82 = tpu.memref_slice %arg5[%add3A_69, %dma_start3A_81] : memref<32768x768xf32, #tpu.memory_space<hbm>> -> memref<16x768xf32, #tpu.memory_space<hbm>>
        %dma_start3A_83 = arith.constant 0 : i32
        %dma_start3A_84 = tpu.memref_slice %arg5[%add3A_69, %dma_start3A_83] : memref<32768x768xf32, #tpu.memory_space<hbm>> -> memref<16x768xf32, #tpu.memory_space<hbm>>
        %dma_start3A_85 = arith.constant 0 : i32
        %dma_start3A_86 = arith.constant 0 : i32
        %dma_start3A_87 = tpu.memref_slice %arg9[%rem3A_58, %dma_start3A_85, %dma_start3A_86] : memref<2x16x768xf32, #tpu.memory_space<vmem>> -> memref<1x16x768xf32, #tpu.memory_space<vmem>>
        %dma_start3A_88 = tpu.memref_squeeze %dma_start3A_87 : memref<1x16x768xf32, #tpu.memory_space<vmem>> -> memref<16x768xf32, #tpu.memory_space<vmem>>
        tpu.enqueue_dma source(%dma_start3A_88 : memref<16x768xf32, #tpu.memory_space<vmem>>) target(%dma_start3A_84 : memref<16x768xf32, #tpu.memory_space<hbm>>) target_semaphore(%run_scoped3A : memref<!tpu.dma_semaphore, #tpu.memory_space<semaphore_mem>>)
        %dma_wait3A_89 = arith.constant 0 : i32
        %dma_wait3A_90 = arith.constant 0 : i32
        %dma_wait3A_91 = tpu.memref_slice %arg9[%rem3A_58, %dma_wait3A_89, %dma_wait3A_90] : memref<2x16x768xf32, #tpu.memory_space<vmem>> -> memref<1x16x768xf32, #tpu.memory_space<vmem>>
        %dma_wait3A_92 = tpu.memref_squeeze %dma_wait3A_91 : memref<1x16x768xf32, #tpu.memory_space<vmem>> -> memref<16x768xf32, #tpu.memory_space<vmem>>
        %dma_wait3A_93 = arith.constant 0 : i32
        %dma_wait3A_94 = tpu.memref_slice %arg5[%add3A_69, %dma_wait3A_93] : memref<32768x768xf32, #tpu.memory_space<hbm>> -> memref<16x768xf32, #tpu.memory_space<hbm>>
        %dma_wait3A_95 = arith.constant 0 : i32
        %dma_wait3A_96 = tpu.memref_slice %arg5[%add3A_69, %dma_wait3A_95] : memref<32768x768xf32, #tpu.memory_space<hbm>> -> memref<16x768xf32, #tpu.memory_space<hbm>>
        %dma_wait3A_97 = arith.constant 0 : i32
        %dma_wait3A_98 = arith.constant 0 : i32
        %dma_wait3A_99 = tpu.memref_slice %arg9[%rem3A_58, %dma_wait3A_97, %dma_wait3A_98] : memref<2x16x768xf32, #tpu.memory_space<vmem>> -> memref<1x16x768xf32, #tpu.memory_space<vmem>>
        %dma_wait3A_100 = tpu.memref_squeeze %dma_wait3A_99 : memref<1x16x768xf32, #tpu.memory_space<vmem>> -> memref<16x768xf32, #tpu.memory_space<vmem>>
        tpu.wait_dma2 semaphore(%run_scoped3A : memref<!tpu.dma_semaphore, #tpu.memory_space<semaphore_mem>>) src(%dma_wait3A_100 : memref<16x768xf32, #tpu.memory_space<vmem>>) dst(%dma_wait3A_96 : memref<16x768xf32, #tpu.memory_space<hbm>>)
        tpu.yield
      }) : () -> ()
      "tpu.region"() ({
        %run_scoped3A = tpu.sem_alloc : memref<!tpu.dma_semaphore, #tpu.memory_space<semaphore_mem>>
        %dma_start3A_77 = arith.constant 0 : i32
        %dma_start3A_78 = arith.constant 0 : i32
        %dma_start3A_79 = tpu.memref_slice %arg10[%rem3A_58, %dma_start3A_77, %dma_start3A_78] : memref<2x16x768xf32, #tpu.memory_space<vmem>> -> memref<1x16x768xf32, #tpu.memory_space<vmem>>
        %dma_start3A_80 = tpu.memref_squeeze %dma_start3A_79 : memref<1x16x768xf32, #tpu.memory_space<vmem>> -> memref<16x768xf32, #tpu.memory_space<vmem>>
        %dma_start3A_81 = arith.constant 0 : i32
        %dma_start3A_82 = tpu.memref_slice %arg6[%add3A_69, %dma_start3A_81] : memref<32768x768xf32, #tpu.memory_space<hbm>> -> memref<16x768xf32, #tpu.memory_space<hbm>>
        %dma_start3A_83 = arith.constant 0 : i32
        %dma_start3A_84 = tpu.memref_slice %arg6[%add3A_69, %dma_start3A_83] : memref<32768x768xf32, #tpu.memory_space<hbm>> -> memref<16x768xf32, #tpu.memory_space<hbm>>
        %dma_start3A_85 = arith.constant 0 : i32
        %dma_start3A_86 = arith.constant 0 : i32
        %dma_start3A_87 = tpu.memref_slice %arg10[%rem3A_58, %dma_start3A_85, %dma_start3A_86] : memref<2x16x768xf32, #tpu.memory_space<vmem>> -> memref<1x16x768xf32, #tpu.memory_space<vmem>>
        %dma_start3A_88 = tpu.memref_squeeze %dma_start3A_87 : memref<1x16x768xf32, #tpu.memory_space<vmem>> -> memref<16x768xf32, #tpu.memory_space<vmem>>
        tpu.enqueue_dma source(%dma_start3A_88 : memref<16x768xf32, #tpu.memory_space<vmem>>) target(%dma_start3A_84 : memref<16x768xf32, #tpu.memory_space<hbm>>) target_semaphore(%run_scoped3A : memref<!tpu.dma_semaphore, #tpu.memory_space<semaphore_mem>>)
        %dma_wait3A_89 = arith.constant 0 : i32
        %dma_wait3A_90 = arith.constant 0 : i32
        %dma_wait3A_91 = tpu.memref_slice %arg10[%rem3A_58, %dma_wait3A_89, %dma_wait3A_90] : memref<2x16x768xf32, #tpu.memory_space<vmem>> -> memref<1x16x768xf32, #tpu.memory_space<vmem>>
        %dma_wait3A_92 = tpu.memref_squeeze %dma_wait3A_91 : memref<1x16x768xf32, #tpu.memory_space<vmem>> -> memref<16x768xf32, #tpu.memory_space<vmem>>
        %dma_wait3A_93 = arith.constant 0 : i32
        %dma_wait3A_94 = tpu.memref_slice %arg6[%add3A_69, %dma_wait3A_93] : memref<32768x768xf32, #tpu.memory_space<hbm>> -> memref<16x768xf32, #tpu.memory_space<hbm>>
        %dma_wait3A_95 = arith.constant 0 : i32
        %dma_wait3A_96 = tpu.memref_slice %arg6[%add3A_69, %dma_wait3A_95] : memref<32768x768xf32, #tpu.memory_space<hbm>> -> memref<16x768xf32, #tpu.memory_space<hbm>>
        %dma_wait3A_97 = arith.constant 0 : i32
        %dma_wait3A_98 = arith.constant 0 : i32
        %dma_wait3A_99 = tpu.memref_slice %arg10[%rem3A_58, %dma_wait3A_97, %dma_wait3A_98] : memref<2x16x768xf32, #tpu.memory_space<vmem>> -> memref<1x16x768xf32, #tpu.memory_space<vmem>>
        %dma_wait3A_100 = tpu.memref_squeeze %dma_wait3A_99 : memref<1x16x768xf32, #tpu.memory_space<vmem>> -> memref<16x768xf32, #tpu.memory_space<vmem>>
        tpu.wait_dma2 semaphore(%run_scoped3A : memref<!tpu.dma_semaphore, #tpu.memory_space<semaphore_mem>>) src(%dma_wait3A_100 : memref<16x768xf32, #tpu.memory_space<vmem>>) dst(%dma_wait3A_96 : memref<16x768xf32, #tpu.memory_space<hbm>>)
        tpu.yield
      }) : () -> ()
      %add3A_70 = arith.constant 1 : i32
      %add3A_71 = arith.addi %scan3A_57, %add3A_70 : i32
      %lt3A_72 = arith.constant 64 : i32
      %lt3A_73 = arith.cmpi slt, %add3A_71, %lt3A_72 : i32
      %convert_element_type3A_74 = arith.extui %lt3A_73 : i1 to i32
      %cond3A_75 = arith.constant 0 : i32
      %cond3A_76 = arith.cmpi ne, %convert_element_type3A_74, %cond3A_75 : i32
      scf.if %cond3A_76 {
        %dma_wait3A_77 = arith.constant 0 : i32
        %dma_wait3A_78 = arith.constant 0 : i32
        %dma_wait3A_79 = arith.constant 0 : i32
        %dma_wait3A_80 = tpu.memref_slice %arg9[%rem3A_62, %dma_wait3A_78, %dma_wait3A_79] : memref<2x16x768xf32, #tpu.memory_space<vmem>> -> memref<1x16x768xf32, #tpu.memory_space<vmem>>
        %dma_wait3A_81 = tpu.memref_squeeze %dma_wait3A_80 : memref<1x16x768xf32, #tpu.memory_space<vmem>> -> memref<16x768xf32, #tpu.memory_space<vmem>>
        %dma_wait3A_82 = arith.constant 0 : i32
        %dma_wait3A_83 = tpu.memref_slice %arg7[%dma_wait3A_77, %dma_wait3A_82] : memref<64x16xi32, #tpu.memory_space<vmem>> -> memref<1x16xi32, #tpu.memory_space<vmem>>
        %dma_wait3A_84 = tpu.memref_squeeze %dma_wait3A_83 : memref<1x16xi32, #tpu.memory_space<vmem>> -> memref<16xi32, #tpu.memory_space<vmem>>
        %dma_wait3A_85 = arith.constant 0 : i32
        %dma_wait3A_86 = arith.constant 0 : i32
        %dma_wait3A_87 = tpu.memref_slice %arg2[%dma_wait3A_85, %dma_wait3A_86] : memref<69632x768xf32, #tpu.memory_space<hbm>> -> memref<69632x768xf32, #tpu.memory_space<hbm>>
        tpu.wait_indirect_dma semaphore(%arg11 : memref<!tpu.dma_semaphore, #tpu.memory_space<semaphore_mem>>) src(%dma_wait3A_87 : memref<69632x768xf32, #tpu.memory_space<hbm>>) dst(%dma_wait3A_81 : memref<16x768xf32, #tpu.memory_space<vmem>>)
        %dma_wait3A_88 = arith.constant 0 : i32
        %dma_wait3A_89 = arith.constant 0 : i32
        %dma_wait3A_90 = arith.constant 0 : i32
        %dma_wait3A_91 = tpu.memref_slice %arg10[%rem3A_62, %dma_wait3A_89, %dma_wait3A_90] : memref<2x16x768xf32, #tpu.memory_space<vmem>> -> memref<1x16x768xf32, #tpu.memory_space<vmem>>
        %dma_wait3A_92 = tpu.memref_squeeze %dma_wait3A_91 : memref<1x16x768xf32, #tpu.memory_space<vmem>> -> memref<16x768xf32, #tpu.memory_space<vmem>>
        %dma_wait3A_93 = arith.constant 0 : i32
        %dma_wait3A_94 = tpu.memref_slice %arg8[%dma_wait3A_88, %dma_wait3A_93] : memref<64x16xi32, #tpu.memory_space<vmem>> -> memref<1x16xi32, #tpu.memory_space<vmem>>
        %dma_wait3A_95 = tpu.memref_squeeze %dma_wait3A_94 : memref<1x16xi32, #tpu.memory_space<vmem>> -> memref<16xi32, #tpu.memory_space<vmem>>
        %dma_wait3A_96 = arith.constant 0 : i32
        %dma_wait3A_97 = arith.constant 0 : i32
        %dma_wait3A_98 = tpu.memref_slice %arg2[%dma_wait3A_96, %dma_wait3A_97] : memref<69632x768xf32, #tpu.memory_space<hbm>> -> memref<69632x768xf32, #tpu.memory_space<hbm>>
        tpu.wait_indirect_dma semaphore(%arg12 : memref<!tpu.dma_semaphore, #tpu.memory_space<semaphore_mem>>) src(%dma_wait3A_98 : memref<69632x768xf32, #tpu.memory_space<hbm>>) dst(%dma_wait3A_92 : memref<16x768xf32, #tpu.memory_space<vmem>>)
      } else {
      }
    }
    %scan3A_56 = arith.constant 64 : i32
    return
  }
}

#map = affine_map<(d0, d1) -> (0, 0)>
module attributes {stable_mosaic.version = 14 : i64} {
  func.func @dispatch(%arg0: i32, %arg1: i32, %arg2: memref<32768x768xf32, #tpu.memory_space<hbm>>, %arg3: memref<2048x16xi32, #tpu.memory_space<hbm>>, %arg4: memref<2048x16xi32, #tpu.memory_space<hbm>>, %arg5: memref<69632x768xf32, #tpu.memory_space<hbm>>, %arg6: memref<64x16xi32, #tpu.memory_space<vmem>>, %arg7: memref<64x16xi32, #tpu.memory_space<vmem>>, %arg8: memref<2x16x768xf32, #tpu.memory_space<vmem>>, %arg9: memref<!tpu.dma_semaphore, #tpu.memory_space<semaphore_mem>>, %arg10: memref<!tpu.dma_semaphore, #tpu.memory_space<semaphore_mem>>, %arg11: memref<!tpu.dma_semaphore, #tpu.memory_space<semaphore_mem>>) attributes {dimension_semantics = [#tpu.dimension_semantics<core_parallel>, #tpu.dimension_semantics<subcore_parallel>], iteration_bounds = array<i64: 2, 16>, scalar_prefetch = 0 : i64, scratch_operands = 6 : i64, tpu.core_type = #tpu.core_type<sc_vector_subcore>, window_params = [{transform_indices = #map}, {transform_indices = #map}, {transform_indices = #map}, {transform_indices = #map}]} {
    %mul3A = arith.constant 2 : i32
    %mul3A_0 = arith.muli %arg1, %mul3A : i32
    %add3A = arith.addi %mul3A_0, %arg0 : i32
    %mul3A_1 = arith.constant 1024 : i32
    %mul3A_2 = arith.muli %add3A, %mul3A_1 : i32
    %mul3A_3 = arith.constant 64 : i32
    %mul3A_4 = arith.muli %add3A, %mul3A_3 : i32
    "tpu.region"() ({
      %run_scoped3A = tpu.sem_alloc : memref<!tpu.dma_semaphore, #tpu.memory_space<semaphore_mem>>
      %dma_start3A_35 = arith.constant 0 : i32
      %dma_start3A_36 = tpu.memref_slice %arg3[%mul3A_4, %dma_start3A_35] : memref<2048x16xi32, #tpu.memory_space<hbm>> -> memref<64x16xi32, #tpu.memory_space<hbm>>
      %dma_start3A_37 = arith.constant 0 : i32
      %dma_start3A_38 = tpu.memref_slice %arg3[%mul3A_4, %dma_start3A_37] : memref<2048x16xi32, #tpu.memory_space<hbm>> -> memref<64x16xi32, #tpu.memory_space<hbm>>
      tpu.enqueue_dma source(%dma_start3A_38 : memref<64x16xi32, #tpu.memory_space<hbm>>) target(%arg6 : memref<64x16xi32, #tpu.memory_space<vmem>>) target_semaphore(%run_scoped3A : memref<!tpu.dma_semaphore, #tpu.memory_space<semaphore_mem>>)
      %dma_wait3A_39 = arith.constant 0 : i32
      %dma_wait3A_40 = tpu.memref_slice %arg3[%mul3A_4, %dma_wait3A_39] : memref<2048x16xi32, #tpu.memory_space<hbm>> -> memref<64x16xi32, #tpu.memory_space<hbm>>
      %dma_wait3A_41 = arith.constant 0 : i32
      %dma_wait3A_42 = tpu.memref_slice %arg3[%mul3A_4, %dma_wait3A_41] : memref<2048x16xi32, #tpu.memory_space<hbm>> -> memref<64x16xi32, #tpu.memory_space<hbm>>
      tpu.wait_dma2 semaphore(%run_scoped3A : memref<!tpu.dma_semaphore, #tpu.memory_space<semaphore_mem>>) src(%dma_wait3A_42 : memref<64x16xi32, #tpu.memory_space<hbm>>) dst(%arg6 : memref<64x16xi32, #tpu.memory_space<vmem>>)
      tpu.yield
    }) : () -> ()
    %mul3A_5 = arith.constant 64 : i32
    %mul3A_6 = arith.muli %add3A, %mul3A_5 : i32
    "tpu.region"() ({
      %run_scoped3A = tpu.sem_alloc : memref<!tpu.dma_semaphore, #tpu.memory_space<semaphore_mem>>
      %dma_start3A_35 = arith.constant 0 : i32
      %dma_start3A_36 = tpu.memref_slice %arg4[%mul3A_6, %dma_start3A_35] : memref<2048x16xi32, #tpu.memory_space<hbm>> -> memref<64x16xi32, #tpu.memory_space<hbm>>
      %dma_start3A_37 = arith.constant 0 : i32
      %dma_start3A_38 = tpu.memref_slice %arg4[%mul3A_6, %dma_start3A_37] : memref<2048x16xi32, #tpu.memory_space<hbm>> -> memref<64x16xi32, #tpu.memory_space<hbm>>
      tpu.enqueue_dma source(%dma_start3A_38 : memref<64x16xi32, #tpu.memory_space<hbm>>) target(%arg7 : memref<64x16xi32, #tpu.memory_space<vmem>>) target_semaphore(%run_scoped3A : memref<!tpu.dma_semaphore, #tpu.memory_space<semaphore_mem>>)
      %dma_wait3A_39 = arith.constant 0 : i32
      %dma_wait3A_40 = tpu.memref_slice %arg4[%mul3A_6, %dma_wait3A_39] : memref<2048x16xi32, #tpu.memory_space<hbm>> -> memref<64x16xi32, #tpu.memory_space<hbm>>
      %dma_wait3A_41 = arith.constant 0 : i32
      %dma_wait3A_42 = tpu.memref_slice %arg4[%mul3A_6, %dma_wait3A_41] : memref<2048x16xi32, #tpu.memory_space<hbm>> -> memref<64x16xi32, #tpu.memory_space<hbm>>
      tpu.wait_dma2 semaphore(%run_scoped3A : memref<!tpu.dma_semaphore, #tpu.memory_space<semaphore_mem>>) src(%dma_wait3A_42 : memref<64x16xi32, #tpu.memory_space<hbm>>) dst(%arg7 : memref<64x16xi32, #tpu.memory_space<vmem>>)
      tpu.yield
    }) : () -> ()
    %dma_start3A = arith.constant 0 : i32
    %dma_start3A_7 = arith.constant 0 : i32
    %dma_start3A_8 = arith.constant 0 : i32
    %dma_start3A_9 = tpu.memref_slice %arg8[%dma_start3A, %dma_start3A_7, %dma_start3A_8] : memref<2x16x768xf32, #tpu.memory_space<vmem>> -> memref<1x16x768xf32, #tpu.memory_space<vmem>>
    %dma_start3A_10 = tpu.memref_squeeze %dma_start3A_9 : memref<1x16x768xf32, #tpu.memory_space<vmem>> -> memref<16x768xf32, #tpu.memory_space<vmem>>
    %dma_start3A_11 = arith.constant 0 : i32
    %dma_start3A_12 = tpu.memref_slice %arg2[%mul3A_2, %dma_start3A_11] : memref<32768x768xf32, #tpu.memory_space<hbm>> -> memref<16x768xf32, #tpu.memory_space<hbm>>
    %dma_start3A_13 = arith.constant 0 : i32
    %dma_start3A_14 = arith.constant 0 : i32
    %dma_start3A_15 = tpu.memref_slice %arg8[%dma_start3A, %dma_start3A_13, %dma_start3A_14] : memref<2x16x768xf32, #tpu.memory_space<vmem>> -> memref<1x16x768xf32, #tpu.memory_space<vmem>>
    %dma_start3A_16 = tpu.memref_squeeze %dma_start3A_15 : memref<1x16x768xf32, #tpu.memory_space<vmem>> -> memref<16x768xf32, #tpu.memory_space<vmem>>
    %dma_start3A_17 = arith.constant 0 : i32
    %dma_start3A_18 = tpu.memref_slice %arg2[%mul3A_2, %dma_start3A_17] : memref<32768x768xf32, #tpu.memory_space<hbm>> -> memref<16x768xf32, #tpu.memory_space<hbm>>
    tpu.enqueue_dma source(%dma_start3A_18 : memref<16x768xf32, #tpu.memory_space<hbm>>) target(%dma_start3A_16 : memref<16x768xf32, #tpu.memory_space<vmem>>) target_semaphore(%arg9 : memref<!tpu.dma_semaphore, #tpu.memory_space<semaphore_mem>>)
    %dma_wait3A = arith.constant 0 : i32
    %dma_wait3A_19 = arith.constant 0 : i32
    %dma_wait3A_20 = arith.constant 0 : i32
    %dma_wait3A_21 = tpu.memref_slice %arg8[%dma_wait3A, %dma_wait3A_19, %dma_wait3A_20] : memref<2x16x768xf32, #tpu.memory_space<vmem>> -> memref<1x16x768xf32, #tpu.memory_space<vmem>>
    %dma_wait3A_22 = tpu.memref_squeeze %dma_wait3A_21 : memref<1x16x768xf32, #tpu.memory_space<vmem>> -> memref<16x768xf32, #tpu.memory_space<vmem>>
    %dma_wait3A_23 = arith.constant 0 : i32
    %dma_wait3A_24 = tpu.memref_slice %arg2[%mul3A_2, %dma_wait3A_23] : memref<32768x768xf32, #tpu.memory_space<hbm>> -> memref<16x768xf32, #tpu.memory_space<hbm>>
    %dma_wait3A_25 = arith.constant 0 : i32
    %dma_wait3A_26 = arith.constant 0 : i32
    %dma_wait3A_27 = tpu.memref_slice %arg8[%dma_wait3A, %dma_wait3A_25, %dma_wait3A_26] : memref<2x16x768xf32, #tpu.memory_space<vmem>> -> memref<1x16x768xf32, #tpu.memory_space<vmem>>
    %dma_wait3A_28 = tpu.memref_squeeze %dma_wait3A_27 : memref<1x16x768xf32, #tpu.memory_space<vmem>> -> memref<16x768xf32, #tpu.memory_space<vmem>>
    %dma_wait3A_29 = arith.constant 0 : i32
    %dma_wait3A_30 = tpu.memref_slice %arg2[%mul3A_2, %dma_wait3A_29] : memref<32768x768xf32, #tpu.memory_space<hbm>> -> memref<16x768xf32, #tpu.memory_space<hbm>>
    tpu.wait_dma2 semaphore(%arg9 : memref<!tpu.dma_semaphore, #tpu.memory_space<semaphore_mem>>) src(%dma_wait3A_30 : memref<16x768xf32, #tpu.memory_space<hbm>>) dst(%dma_wait3A_28 : memref<16x768xf32, #tpu.memory_space<vmem>>)
    %scan3A = arith.constant 0 : i32
    %scan3A_31 = arith.constant 64 : i32
    %scan3A_32 = arith.addi %scan3A, %scan3A_31 : i32
    %scan3A_33 = arith.constant 1 : i32
    scf.for %scan3A_35 = %scan3A to %scan3A_32 step %scan3A_33  : i32 {
      %rem3A = arith.constant 2 : i32
      %rem3A_36 = arith.remsi %scan3A_35, %rem3A : i32
      %add3A_37 = arith.constant 1 : i32
      %add3A_38 = arith.addi %scan3A_35, %add3A_37 : i32
      %rem3A_39 = arith.constant 2 : i32
      %rem3A_40 = arith.remsi %add3A_38, %rem3A_39 : i32
      %add3A_41 = arith.constant 1 : i32
      %add3A_42 = arith.addi %scan3A_35, %add3A_41 : i32
      %lt3A = arith.constant 64 : i32
      %lt3A_43 = arith.cmpi slt, %add3A_42, %lt3A : i32
      %convert_element_type3A = arith.extui %lt3A_43 : i1 to i32
      %cond3A = arith.constant 0 : i32
      %cond3A_44 = arith.cmpi ne, %convert_element_type3A, %cond3A : i32
      scf.if %cond3A_44 {
        %add3A_92 = arith.constant 1 : i32
        %add3A_93 = arith.addi %scan3A_35, %add3A_92 : i32
        %mul3A_94 = arith.constant 16 : i32
        %mul3A_95 = arith.muli %add3A_93, %mul3A_94 : i32
        %add3A_96 = arith.addi %mul3A_2, %mul3A_95 : i32
        %dma_start3A_97 = arith.constant 0 : i32
        %dma_start3A_98 = arith.constant 0 : i32
        %dma_start3A_99 = tpu.memref_slice %arg8[%rem3A_40, %dma_start3A_97, %dma_start3A_98] : memref<2x16x768xf32, #tpu.memory_space<vmem>> -> memref<1x16x768xf32, #tpu.memory_space<vmem>>
        %dma_start3A_100 = tpu.memref_squeeze %dma_start3A_99 : memref<1x16x768xf32, #tpu.memory_space<vmem>> -> memref<16x768xf32, #tpu.memory_space<vmem>>
        %dma_start3A_101 = arith.constant 0 : i32
        %dma_start3A_102 = tpu.memref_slice %arg2[%add3A_96, %dma_start3A_101] : memref<32768x768xf32, #tpu.memory_space<hbm>> -> memref<16x768xf32, #tpu.memory_space<hbm>>
        %dma_start3A_103 = arith.constant 0 : i32
        %dma_start3A_104 = arith.constant 0 : i32
        %dma_start3A_105 = tpu.memref_slice %arg8[%rem3A_40, %dma_start3A_103, %dma_start3A_104] : memref<2x16x768xf32, #tpu.memory_space<vmem>> -> memref<1x16x768xf32, #tpu.memory_space<vmem>>
        %dma_start3A_106 = tpu.memref_squeeze %dma_start3A_105 : memref<1x16x768xf32, #tpu.memory_space<vmem>> -> memref<16x768xf32, #tpu.memory_space<vmem>>
        %dma_start3A_107 = arith.constant 0 : i32
        %dma_start3A_108 = tpu.memref_slice %arg2[%add3A_96, %dma_start3A_107] : memref<32768x768xf32, #tpu.memory_space<hbm>> -> memref<16x768xf32, #tpu.memory_space<hbm>>
        tpu.enqueue_dma source(%dma_start3A_108 : memref<16x768xf32, #tpu.memory_space<hbm>>) target(%dma_start3A_106 : memref<16x768xf32, #tpu.memory_space<vmem>>) target_semaphore(%arg9 : memref<!tpu.dma_semaphore, #tpu.memory_space<semaphore_mem>>)
      } else {
      }
      %dma_start3A_45 = arith.constant 0 : i32
      %dma_start3A_46 = arith.constant 0 : i32
      %dma_start3A_47 = tpu.memref_slice %arg8[%rem3A_36, %dma_start3A_45, %dma_start3A_46] : memref<2x16x768xf32, #tpu.memory_space<vmem>> -> memref<1x16x768xf32, #tpu.memory_space<vmem>>
      %dma_start3A_48 = tpu.memref_squeeze %dma_start3A_47 : memref<1x16x768xf32, #tpu.memory_space<vmem>> -> memref<16x768xf32, #tpu.memory_space<vmem>>
      %dma_start3A_49 = arith.constant 0 : i32
      %dma_start3A_50 = tpu.memref_slice %arg6[%scan3A_35, %dma_start3A_49] : memref<64x16xi32, #tpu.memory_space<vmem>> -> memref<1x16xi32, #tpu.memory_space<vmem>>
      %dma_start3A_51 = tpu.memref_squeeze %dma_start3A_50 : memref<1x16xi32, #tpu.memory_space<vmem>> -> memref<16xi32, #tpu.memory_space<vmem>>
      %dma_start3A_52 = arith.constant 0 : i32
      %dma_start3A_53 = arith.constant 0 : i32
      %dma_start3A_54 = tpu.memref_slice %arg5[%dma_start3A_52, %dma_start3A_53] : memref<69632x768xf32, #tpu.memory_space<hbm>> -> memref<69632x768xf32, #tpu.memory_space<hbm>>
      tpu.enqueue_indirect_dma source(%dma_start3A_48 : memref<16x768xf32, #tpu.memory_space<vmem>>) target(%dma_start3A_54 : memref<69632x768xf32, #tpu.memory_space<hbm>>) offsets(%dma_start3A_51 : memref<16xi32, #tpu.memory_space<vmem>>) semaphore(%arg10 : memref<!tpu.dma_semaphore, #tpu.memory_space<semaphore_mem>>)
      %dma_start3A_55 = arith.constant 0 : i32
      %dma_start3A_56 = arith.constant 0 : i32
      %dma_start3A_57 = tpu.memref_slice %arg8[%rem3A_36, %dma_start3A_55, %dma_start3A_56] : memref<2x16x768xf32, #tpu.memory_space<vmem>> -> memref<1x16x768xf32, #tpu.memory_space<vmem>>
      %dma_start3A_58 = tpu.memref_squeeze %dma_start3A_57 : memref<1x16x768xf32, #tpu.memory_space<vmem>> -> memref<16x768xf32, #tpu.memory_space<vmem>>
      %dma_start3A_59 = arith.constant 0 : i32
      %dma_start3A_60 = tpu.memref_slice %arg7[%scan3A_35, %dma_start3A_59] : memref<64x16xi32, #tpu.memory_space<vmem>> -> memref<1x16xi32, #tpu.memory_space<vmem>>
      %dma_start3A_61 = tpu.memref_squeeze %dma_start3A_60 : memref<1x16xi32, #tpu.memory_space<vmem>> -> memref<16xi32, #tpu.memory_space<vmem>>
      %dma_start3A_62 = arith.constant 0 : i32
      %dma_start3A_63 = arith.constant 0 : i32
      %dma_start3A_64 = tpu.memref_slice %arg5[%dma_start3A_62, %dma_start3A_63] : memref<69632x768xf32, #tpu.memory_space<hbm>> -> memref<69632x768xf32, #tpu.memory_space<hbm>>
      tpu.enqueue_indirect_dma source(%dma_start3A_58 : memref<16x768xf32, #tpu.memory_space<vmem>>) target(%dma_start3A_64 : memref<69632x768xf32, #tpu.memory_space<hbm>>) offsets(%dma_start3A_61 : memref<16xi32, #tpu.memory_space<vmem>>) semaphore(%arg11 : memref<!tpu.dma_semaphore, #tpu.memory_space<semaphore_mem>>)
      %dma_wait3A_65 = arith.constant 0 : i32
      %dma_wait3A_66 = arith.constant 0 : i32
      %dma_wait3A_67 = tpu.memref_slice %arg8[%rem3A_36, %dma_wait3A_65, %dma_wait3A_66] : memref<2x16x768xf32, #tpu.memory_space<vmem>> -> memref<1x16x768xf32, #tpu.memory_space<vmem>>
      %dma_wait3A_68 = tpu.memref_squeeze %dma_wait3A_67 : memref<1x16x768xf32, #tpu.memory_space<vmem>> -> memref<16x768xf32, #tpu.memory_space<vmem>>
      %dma_wait3A_69 = arith.constant 0 : i32
      %dma_wait3A_70 = tpu.memref_slice %arg6[%scan3A_35, %dma_wait3A_69] : memref<64x16xi32, #tpu.memory_space<vmem>> -> memref<1x16xi32, #tpu.memory_space<vmem>>
      %dma_wait3A_71 = tpu.memref_squeeze %dma_wait3A_70 : memref<1x16xi32, #tpu.memory_space<vmem>> -> memref<16xi32, #tpu.memory_space<vmem>>
      %dma_wait3A_72 = arith.constant 0 : i32
      %dma_wait3A_73 = arith.constant 0 : i32
      %dma_wait3A_74 = tpu.memref_slice %arg5[%dma_wait3A_72, %dma_wait3A_73] : memref<69632x768xf32, #tpu.memory_space<hbm>> -> memref<69632x768xf32, #tpu.memory_space<hbm>>
      tpu.wait_indirect_dma semaphore(%arg10 : memref<!tpu.dma_semaphore, #tpu.memory_space<semaphore_mem>>) src(%dma_wait3A_68 : memref<16x768xf32, #tpu.memory_space<vmem>>) dst(%dma_wait3A_74 : memref<69632x768xf32, #tpu.memory_space<hbm>>)
      %dma_wait3A_75 = arith.constant 0 : i32
      %dma_wait3A_76 = arith.constant 0 : i32
      %dma_wait3A_77 = tpu.memref_slice %arg8[%rem3A_36, %dma_wait3A_75, %dma_wait3A_76] : memref<2x16x768xf32, #tpu.memory_space<vmem>> -> memref<1x16x768xf32, #tpu.memory_space<vmem>>
      %dma_wait3A_78 = tpu.memref_squeeze %dma_wait3A_77 : memref<1x16x768xf32, #tpu.memory_space<vmem>> -> memref<16x768xf32, #tpu.memory_space<vmem>>
      %dma_wait3A_79 = arith.constant 0 : i32
      %dma_wait3A_80 = tpu.memref_slice %arg7[%scan3A_35, %dma_wait3A_79] : memref<64x16xi32, #tpu.memory_space<vmem>> -> memref<1x16xi32, #tpu.memory_space<vmem>>
      %dma_wait3A_81 = tpu.memref_squeeze %dma_wait3A_80 : memref<1x16xi32, #tpu.memory_space<vmem>> -> memref<16xi32, #tpu.memory_space<vmem>>
      %dma_wait3A_82 = arith.constant 0 : i32
      %dma_wait3A_83 = arith.constant 0 : i32
      %dma_wait3A_84 = tpu.memref_slice %arg5[%dma_wait3A_82, %dma_wait3A_83] : memref<69632x768xf32, #tpu.memory_space<hbm>> -> memref<69632x768xf32, #tpu.memory_space<hbm>>
      tpu.wait_indirect_dma semaphore(%arg11 : memref<!tpu.dma_semaphore, #tpu.memory_space<semaphore_mem>>) src(%dma_wait3A_78 : memref<16x768xf32, #tpu.memory_space<vmem>>) dst(%dma_wait3A_84 : memref<69632x768xf32, #tpu.memory_space<hbm>>)
      %add3A_85 = arith.constant 1 : i32
      %add3A_86 = arith.addi %scan3A_35, %add3A_85 : i32
      %lt3A_87 = arith.constant 64 : i32
      %lt3A_88 = arith.cmpi slt, %add3A_86, %lt3A_87 : i32
      %convert_element_type3A_89 = arith.extui %lt3A_88 : i1 to i32
      %cond3A_90 = arith.constant 0 : i32
      %cond3A_91 = arith.cmpi ne, %convert_element_type3A_89, %cond3A_90 : i32
      scf.if %cond3A_91 {
        %dma_wait3A_92 = arith.constant 0 : i32
        %dma_wait3A_93 = arith.constant 0 : i32
        %dma_wait3A_94 = tpu.memref_slice %arg8[%rem3A_40, %dma_wait3A_92, %dma_wait3A_93] : memref<2x16x768xf32, #tpu.memory_space<vmem>> -> memref<1x16x768xf32, #tpu.memory_space<vmem>>
        %dma_wait3A_95 = tpu.memref_squeeze %dma_wait3A_94 : memref<1x16x768xf32, #tpu.memory_space<vmem>> -> memref<16x768xf32, #tpu.memory_space<vmem>>
        %dma_wait3A_96 = arith.constant 0 : i32
        %dma_wait3A_97 = tpu.memref_slice %arg2[%mul3A_2, %dma_wait3A_96] : memref<32768x768xf32, #tpu.memory_space<hbm>> -> memref<16x768xf32, #tpu.memory_space<hbm>>
        %dma_wait3A_98 = arith.constant 0 : i32
        %dma_wait3A_99 = arith.constant 0 : i32
        %dma_wait3A_100 = tpu.memref_slice %arg8[%rem3A_40, %dma_wait3A_98, %dma_wait3A_99] : memref<2x16x768xf32, #tpu.memory_space<vmem>> -> memref<1x16x768xf32, #tpu.memory_space<vmem>>
        %dma_wait3A_101 = tpu.memref_squeeze %dma_wait3A_100 : memref<1x16x768xf32, #tpu.memory_space<vmem>> -> memref<16x768xf32, #tpu.memory_space<vmem>>
        %dma_wait3A_102 = arith.constant 0 : i32
        %dma_wait3A_103 = tpu.memref_slice %arg2[%mul3A_2, %dma_wait3A_102] : memref<32768x768xf32, #tpu.memory_space<hbm>> -> memref<16x768xf32, #tpu.memory_space<hbm>>
        tpu.wait_dma2 semaphore(%arg9 : memref<!tpu.dma_semaphore, #tpu.memory_space<semaphore_mem>>) src(%dma_wait3A_103 : memref<16x768xf32, #tpu.memory_space<hbm>>) dst(%dma_wait3A_101 : memref<16x768xf32, #tpu.memory_space<vmem>>)
      } else {
      }
    }
    %scan3A_34 = arith.constant 64 : i32
    return
  }
}

module attributes {stable_mosaic.version = 14 : i64} {
  func.func @_route_block(%arg0: i32, %arg1: memref<1024x768xf32, #tpu.memory_space<vmem>>, %arg2: memref<768x8xbf16, #tpu.memory_space<vmem>>, %arg3: memref<1x8xf32, #tpu.memory_space<vmem>>, %arg4: memref<8x128xi32, #tpu.memory_space<vmem>>, %arg5: memref<8x128xi32, #tpu.memory_space<vmem>>, %arg6: memref<8x128xf32, #tpu.memory_space<vmem>>, %arg7: memref<8x128xf32, #tpu.memory_space<vmem>>, %arg8: memref<8x128xi32, #tpu.memory_space<vmem>>, %arg9: memref<8x128xi32, #tpu.memory_space<vmem>>, %arg10: memref<8x8xi32, #tpu.memory_space<vmem>>, %arg11: memref<1x8xi32, #tpu.memory_space<vmem>>) attributes {dimension_semantics = [#tpu.dimension_semantics<arbitrary>], iteration_bounds = array<i64: 32>, scalar_prefetch = 0 : i64, scratch_operands = 1 : i64, tpu.core_type = #tpu.core_type<tc>, window_params = [{transform_indices = @transform_0, window_bounds = array<i64: 1024, 768>}, {pipeline_mode = #tpu.pipeline_mode<synchronous>, transform_indices = @transform_1, window_bounds = array<i64: 768, 8>}, {pipeline_mode = #tpu.pipeline_mode<synchronous>, transform_indices = @transform_2, window_bounds = array<i64: 1, 8>}, {transform_indices = @transform_3, window_bounds = array<i64: 8, 128>}, {transform_indices = @transform_4, window_bounds = array<i64: 8, 128>}, {transform_indices = @transform_5, window_bounds = array<i64: 8, 128>}, {transform_indices = @transform_6, window_bounds = array<i64: 8, 128>}, {transform_indices = @transform_7, window_bounds = array<i64: 8, 128>}, {transform_indices = @transform_8, window_bounds = array<i64: 8, 128>}, {pipeline_mode = #tpu.pipeline_mode<synchronous>, transform_indices = @transform_9, window_bounds = array<i64: 8, 8>}]} {
    %eq3A = arith.constant 0 : i32
    %eq3A_0 = arith.cmpi eq, %arg0, %eq3A : i32
    %convert_element_type3A = arith.extui %eq3A_0 : i1 to i32
    %cond3A = arith.constant 0 : i32
    %cond3A_1 = arith.cmpi ne, %convert_element_type3A, %cond3A : i32
    scf.if %cond3A_1 {
      %broadcast_in_dim3A_198 = arith.constant 0 : i32
      %broadcast_in_dim3A_199 = vector.broadcast %broadcast_in_dim3A_198 : i32 to vector<1x8xi32>
      %swap3A_200 = arith.constant 0 : index
      %swap3A_201 = arith.constant 0 : index
      %swap3A_202 = vector.load %arg11[%swap3A_200, %swap3A_201] : memref<1x8xi32, #tpu.memory_space<vmem>>, vector<1x8xi32>
      tpu.vector_store %arg11[%swap3A_200, %swap3A_201], %broadcast_in_dim3A_199 {strides = array<i32>} : memref<1x8xi32, #tpu.memory_space<vmem>>, vector<1x8xi32>,
    } else {
    }
    %get3A = arith.constant 0 : index
    %get3A_2 = arith.constant 0 : index
    %get3A_3 = vector.load %arg1[%get3A, %get3A_2] : memref<1024x768xf32, #tpu.memory_space<vmem>>, vector<1024x768xf32>
    %convert_element_type3A_4 = arith.truncf %get3A_3 : vector<1024x768xf32> to vector<1024x768xbf16>
    %get3A_5 = arith.constant 0 : index
    %get3A_6 = arith.constant 0 : index
    %get3A_7 = vector.load %arg2[%get3A_5, %get3A_6] : memref<768x8xbf16, #tpu.memory_space<vmem>>, vector<768x8xbf16>
    %dot_general3A = arith.constant dense<0.000000e+00> : vector<1024x8xf32>
    %dot_general3A_8 = tpu.matmul %convert_element_type3A_4, %get3A_7, %dot_general3A {dimension_numbers = #tpu.dot_dimension_numbers<[1], [0], [0], [1], [0, 0, 1, 1], [], []>, transpose_lhs_hint = false} : vector<1024x768xbf16>, vector<768x8xbf16>, vector<1024x8xf32> -> vector<1024x8xf32>
    %get3A_9 = arith.constant 0 : index
    %get3A_10 = arith.constant 0 : index
    %get3A_11 = vector.load %arg3[%get3A_9, %get3A_10] : memref<1x8xf32, #tpu.memory_space<vmem>>, vector<1x8xf32>
    %add3A = vector.broadcast %get3A_11 : vector<1x8xf32> to vector<1024x8xf32>
    %add3A_12 = arith.addf %dot_general3A_8, %add3A : vector<1024x8xf32>
    %reduce_max3A = arith.constant dense<0xFF800000> : vector<1024xf32>
    %reduce_max3A_13 = vector.multi_reduction <maximumf>, %add3A_12, %reduce_max3A [1] : vector<1024x8xf32> to vector<1024xf32>
    %broadcast_in_dim3A = vector.shape_cast %reduce_max3A_13 : vector<1024xf32> to vector<1024x1xf32>
    %sub3A = vector.broadcast %broadcast_in_dim3A : vector<1024x1xf32> to vector<1024x8xf32>
    %sub3A_14 = arith.subf %add3A_12, %sub3A : vector<1024x8xf32>
    %exp3A = math.exp %sub3A_14 : vector<1024x8xf32>
    %reduce_sum3A = arith.constant dense<0.000000e+00> : vector<1024xf32>
    %reduce_sum3A_15 = vector.multi_reduction <add>, %exp3A, %reduce_sum3A [1] : vector<1024x8xf32> to vector<1024xf32>
    %broadcast_in_dim3A_16 = vector.shape_cast %reduce_sum3A_15 : vector<1024xf32> to vector<1024x1xf32>
    %div3A = vector.broadcast %broadcast_in_dim3A_16 : vector<1024x1xf32> to vector<1024x8xf32>
    %div3A_17 = arith.divf %exp3A, %div3A : vector<1024x8xf32>
    %iota3A = tpu.iota {dimensions = array<i32: 1>} : vector<1024x8xi32>
    %reduce_max3A_18 = arith.constant dense<0xFF800000> : vector<1024xf32>
    %reduce_max3A_19 = vector.multi_reduction <maximumf>, %div3A_17, %reduce_max3A_18 [1] : vector<1024x8xf32> to vector<1024xf32>
    %broadcast_in_dim3A_20 = vector.shape_cast %reduce_max3A_19 : vector<1024xf32> to vector<1024x1xf32>
    %eq3A_21 = vector.broadcast %broadcast_in_dim3A_20 : vector<1024x1xf32> to vector<1024x8xf32>
    %eq3A_22 = arith.cmpf oeq, %div3A_17, %eq3A_21 : vector<1024x8xf32>
    %jit3A = arith.constant 8 : i32
    %broadcast_in_dim3A_23 = vector.broadcast %jit3A : i32 to vector<1024x8xi32>
    %select_n3A = arith.select %eq3A_22, %iota3A, %broadcast_in_dim3A_23 : vector<1024x8xi1>, vector<1024x8xi32>
    %reduce_min3A = arith.constant dense<2147483647> : vector<1024xi32>
    %reduce_min3A_24 = vector.multi_reduction <minsi>, %select_n3A, %reduce_min3A [1] : vector<1024x8xi32> to vector<1024xi32>
    %broadcast_in_dim3A_25 = vector.shape_cast %reduce_min3A_24 : vector<1024xi32> to vector<1024x1xi32>
    %eq3A_26 = vector.broadcast %broadcast_in_dim3A_25 : vector<1024x1xi32> to vector<1024x8xi32>
    %eq3A_27 = arith.cmpi eq, %iota3A, %eq3A_26 : vector<1024x8xi32>
    %jit3A_28 = arith.constant 0xFF800000 : f32
    %broadcast_in_dim3A_29 = vector.broadcast %jit3A_28 : f32 to vector<1024x8xf32>
    %select_n3A_30 = arith.select %eq3A_27, %broadcast_in_dim3A_29, %div3A_17 : vector<1024x8xi1>, vector<1024x8xf32>
    %reduce_max3A_31 = arith.constant dense<0xFF800000> : vector<1024xf32>
    %reduce_max3A_32 = vector.multi_reduction <maximumf>, %select_n3A_30, %reduce_max3A_31 [1] : vector<1024x8xf32> to vector<1024xf32>
    %broadcast_in_dim3A_33 = vector.shape_cast %reduce_max3A_32 : vector<1024xf32> to vector<1024x1xf32>
    %eq3A_34 = vector.broadcast %broadcast_in_dim3A_33 : vector<1024x1xf32> to vector<1024x8xf32>
    %eq3A_35 = arith.cmpf oeq, %select_n3A_30, %eq3A_34 : vector<1024x8xf32>
    %jit3A_36 = arith.constant 8 : i32
    %broadcast_in_dim3A_37 = vector.broadcast %jit3A_36 : i32 to vector<1024x8xi32>
    %select_n3A_38 = arith.select %eq3A_35, %iota3A, %broadcast_in_dim3A_37 : vector<1024x8xi1>, vector<1024x8xi32>
    %reduce_min3A_39 = arith.constant dense<2147483647> : vector<1024xi32>
    %reduce_min3A_40 = vector.multi_reduction <minsi>, %select_n3A_38, %reduce_min3A_39 [1] : vector<1024x8xi32> to vector<1024xi32>
    %broadcast_in_dim3A_41 = vector.shape_cast %reduce_min3A_40 : vector<1024xi32> to vector<1024x1xi32>
    %eq3A_42 = vector.broadcast %broadcast_in_dim3A_41 : vector<1024x1xi32> to vector<1024x8xi32>
    %eq3A_43 = arith.cmpi eq, %iota3A, %eq3A_42 : vector<1024x8xi32>
    %get3A_44 = arith.constant 0 : index
    %get3A_45 = arith.constant 0 : index
    %get3A_46 = vector.load %arg11[%get3A_44, %get3A_45] : memref<1x8xi32, #tpu.memory_space<vmem>>, vector<1x8xi32>
    %convert_element_type3A_47 = arith.extui %eq3A_27 : vector<1024x8xi1> to vector<1024x8xi32>
    %convert_element_type3A_48 = arith.extui %eq3A_43 : vector<1024x8xi1> to vector<1024x8xi32>
    %broadcast_in_dim3A_49 = arith.constant 0 : i32
    %broadcast_in_dim3A_50 = vector.broadcast %broadcast_in_dim3A_49 : i32 to vector<1x8xi32>
    %slice3A = vector.extract_strided_slice %convert_element_type3A_47 {offsets = [0, 0], sizes = [1023, 8], strides = [1, 1]} : vector<1024x8xi32> to vector<1023x8xi32>
    %concatenate3A = tpu.concatenate %broadcast_in_dim3A_50, %slice3A in 0 : vector<1x8xi32>, vector<1023x8xi32> -> vector<1024x8xi32>
    %add3A_51 = arith.addi %convert_element_type3A_47, %concatenate3A : vector<1024x8xi32>
    %broadcast_in_dim3A_52 = arith.constant 0 : i32
    %broadcast_in_dim3A_53 = vector.broadcast %broadcast_in_dim3A_52 : i32 to vector<2x8xi32>
    %slice3A_54 = vector.extract_strided_slice %add3A_51 {offsets = [0, 0], sizes = [1022, 8], strides = [1, 1]} : vector<1024x8xi32> to vector<1022x8xi32>
    %concatenate3A_55 = tpu.concatenate %broadcast_in_dim3A_53, %slice3A_54 in 0 : vector<2x8xi32>, vector<1022x8xi32> -> vector<1024x8xi32>
    %add3A_56 = arith.addi %add3A_51, %concatenate3A_55 : vector<1024x8xi32>
    %broadcast_in_dim3A_57 = arith.constant 0 : i32
    %broadcast_in_dim3A_58 = vector.broadcast %broadcast_in_dim3A_57 : i32 to vector<4x8xi32>
    %slice3A_59 = vector.extract_strided_slice %add3A_56 {offsets = [0, 0], sizes = [1020, 8], strides = [1, 1]} : vector<1024x8xi32> to vector<1020x8xi32>
    %concatenate3A_60 = tpu.concatenate %broadcast_in_dim3A_58, %slice3A_59 in 0 : vector<4x8xi32>, vector<1020x8xi32> -> vector<1024x8xi32>
    %add3A_61 = arith.addi %add3A_56, %concatenate3A_60 : vector<1024x8xi32>
    %broadcast_in_dim3A_62 = arith.constant 0 : i32
    %broadcast_in_dim3A_63 = vector.broadcast %broadcast_in_dim3A_62 : i32 to vector<8x8xi32>
    %slice3A_64 = vector.extract_strided_slice %add3A_61 {offsets = [0, 0], sizes = [1016, 8], strides = [1, 1]} : vector<1024x8xi32> to vector<1016x8xi32>
    %concatenate3A_65 = tpu.concatenate %broadcast_in_dim3A_63, %slice3A_64 in 0 : vector<8x8xi32>, vector<1016x8xi32> -> vector<1024x8xi32>
    %add3A_66 = arith.addi %add3A_61, %concatenate3A_65 : vector<1024x8xi32>
    %broadcast_in_dim3A_67 = arith.constant 0 : i32
    %broadcast_in_dim3A_68 = vector.broadcast %broadcast_in_dim3A_67 : i32 to vector<16x8xi32>
    %slice3A_69 = vector.extract_strided_slice %add3A_66 {offsets = [0, 0], sizes = [1008, 8], strides = [1, 1]} : vector<1024x8xi32> to vector<1008x8xi32>
    %concatenate3A_70 = tpu.concatenate %broadcast_in_dim3A_68, %slice3A_69 in 0 : vector<16x8xi32>, vector<1008x8xi32> -> vector<1024x8xi32>
    %add3A_71 = arith.addi %add3A_66, %concatenate3A_70 : vector<1024x8xi32>
    %broadcast_in_dim3A_72 = arith.constant 0 : i32
    %broadcast_in_dim3A_73 = vector.broadcast %broadcast_in_dim3A_72 : i32 to vector<32x8xi32>
    %slice3A_74 = vector.extract_strided_slice %add3A_71 {offsets = [0, 0], sizes = [992, 8], strides = [1, 1]} : vector<1024x8xi32> to vector<992x8xi32>
    %concatenate3A_75 = tpu.concatenate %broadcast_in_dim3A_73, %slice3A_74 in 0 : vector<32x8xi32>, vector<992x8xi32> -> vector<1024x8xi32>
    %add3A_76 = arith.addi %add3A_71, %concatenate3A_75 : vector<1024x8xi32>
    %broadcast_in_dim3A_77 = arith.constant 0 : i32
    %broadcast_in_dim3A_78 = vector.broadcast %broadcast_in_dim3A_77 : i32 to vector<64x8xi32>
    %slice3A_79 = vector.extract_strided_slice %add3A_76 {offsets = [0, 0], sizes = [960, 8], strides = [1, 1]} : vector<1024x8xi32> to vector<960x8xi32>
    %concatenate3A_80 = tpu.concatenate %broadcast_in_dim3A_78, %slice3A_79 in 0 : vector<64x8xi32>, vector<960x8xi32> -> vector<1024x8xi32>
    %add3A_81 = arith.addi %add3A_76, %concatenate3A_80 : vector<1024x8xi32>
    %broadcast_in_dim3A_82 = arith.constant 0 : i32
    %broadcast_in_dim3A_83 = vector.broadcast %broadcast_in_dim3A_82 : i32 to vector<128x8xi32>
    %slice3A_84 = vector.extract_strided_slice %add3A_81 {offsets = [0, 0], sizes = [896, 8], strides = [1, 1]} : vector<1024x8xi32> to vector<896x8xi32>
    %concatenate3A_85 = tpu.concatenate %broadcast_in_dim3A_83, %slice3A_84 in 0 : vector<128x8xi32>, vector<896x8xi32> -> vector<1024x8xi32>
    %add3A_86 = arith.addi %add3A_81, %concatenate3A_85 : vector<1024x8xi32>
    %broadcast_in_dim3A_87 = arith.constant 0 : i32
    %broadcast_in_dim3A_88 = vector.broadcast %broadcast_in_dim3A_87 : i32 to vector<256x8xi32>
    %slice3A_89 = vector.extract_strided_slice %add3A_86 {offsets = [0, 0], sizes = [768, 8], strides = [1, 1]} : vector<1024x8xi32> to vector<768x8xi32>
    %concatenate3A_90 = tpu.concatenate %broadcast_in_dim3A_88, %slice3A_89 in 0 : vector<256x8xi32>, vector<768x8xi32> -> vector<1024x8xi32>
    %add3A_91 = arith.addi %add3A_86, %concatenate3A_90 : vector<1024x8xi32>
    %broadcast_in_dim3A_92 = arith.constant 0 : i32
    %broadcast_in_dim3A_93 = vector.broadcast %broadcast_in_dim3A_92 : i32 to vector<512x8xi32>
    %slice3A_94 = vector.extract_strided_slice %add3A_91 {offsets = [0, 0], sizes = [512, 8], strides = [1, 1]} : vector<1024x8xi32> to vector<512x8xi32>
    %concatenate3A_95 = tpu.concatenate %broadcast_in_dim3A_93, %slice3A_94 in 0 : vector<512x8xi32>, vector<512x8xi32> -> vector<1024x8xi32>
    %add3A_96 = arith.addi %add3A_91, %concatenate3A_95 : vector<1024x8xi32>
    %sub3A_97 = arith.constant 1 : i32
    %sub3A_98 = vector.broadcast %sub3A_97 : i32 to vector<1024x8xi32>
    %sub3A_99 = arith.subi %add3A_96, %sub3A_98 : vector<1024x8xi32>
    %add3A_100 = vector.broadcast %get3A_46 : vector<1x8xi32> to vector<1024x8xi32>
    %add3A_101 = arith.addi %sub3A_99, %add3A_100 : vector<1024x8xi32>
    %mul3A = arith.muli %convert_element_type3A_47, %add3A_101 : vector<1024x8xi32>
    %reduce_sum3A_102 = arith.constant dense<0> : vector<1024xi32>
    %reduce_sum3A_103 = vector.multi_reduction <add>, %mul3A, %reduce_sum3A_102 [1] : vector<1024x8xi32> to vector<1024xi32>
    %slice3A_104 = vector.extract_strided_slice %add3A_96 {offsets = [1023, 0], sizes = [1, 8], strides = [1, 1]} : vector<1024x8xi32> to vector<1x8xi32>
    %broadcast_in_dim3A_105 = arith.constant 0 : i32
    %broadcast_in_dim3A_106 = vector.broadcast %broadcast_in_dim3A_105 : i32 to vector<1x8xi32>
    %slice3A_107 = vector.extract_strided_slice %convert_element_type3A_48 {offsets = [0, 0], sizes = [1023, 8], strides = [1, 1]} : vector<1024x8xi32> to vector<1023x8xi32>
    %concatenate3A_108 = tpu.concatenate %broadcast_in_dim3A_106, %slice3A_107 in 0 : vector<1x8xi32>, vector<1023x8xi32> -> vector<1024x8xi32>
    %add3A_109 = arith.addi %convert_element_type3A_48, %concatenate3A_108 : vector<1024x8xi32>
    %broadcast_in_dim3A_110 = arith.constant 0 : i32
    %broadcast_in_dim3A_111 = vector.broadcast %broadcast_in_dim3A_110 : i32 to vector<2x8xi32>
    %slice3A_112 = vector.extract_strided_slice %add3A_109 {offsets = [0, 0], sizes = [1022, 8], strides = [1, 1]} : vector<1024x8xi32> to vector<1022x8xi32>
    %concatenate3A_113 = tpu.concatenate %broadcast_in_dim3A_111, %slice3A_112 in 0 : vector<2x8xi32>, vector<1022x8xi32> -> vector<1024x8xi32>
    %add3A_114 = arith.addi %add3A_109, %concatenate3A_113 : vector<1024x8xi32>
    %broadcast_in_dim3A_115 = arith.constant 0 : i32
    %broadcast_in_dim3A_116 = vector.broadcast %broadcast_in_dim3A_115 : i32 to vector<4x8xi32>
    %slice3A_117 = vector.extract_strided_slice %add3A_114 {offsets = [0, 0], sizes = [1020, 8], strides = [1, 1]} : vector<1024x8xi32> to vector<1020x8xi32>
    %concatenate3A_118 = tpu.concatenate %broadcast_in_dim3A_116, %slice3A_117 in 0 : vector<4x8xi32>, vector<1020x8xi32> -> vector<1024x8xi32>
    %add3A_119 = arith.addi %add3A_114, %concatenate3A_118 : vector<1024x8xi32>
    %broadcast_in_dim3A_120 = arith.constant 0 : i32
    %broadcast_in_dim3A_121 = vector.broadcast %broadcast_in_dim3A_120 : i32 to vector<8x8xi32>
    %slice3A_122 = vector.extract_strided_slice %add3A_119 {offsets = [0, 0], sizes = [1016, 8], strides = [1, 1]} : vector<1024x8xi32> to vector<1016x8xi32>
    %concatenate3A_123 = tpu.concatenate %broadcast_in_dim3A_121, %slice3A_122 in 0 : vector<8x8xi32>, vector<1016x8xi32> -> vector<1024x8xi32>
    %add3A_124 = arith.addi %add3A_119, %concatenate3A_123 : vector<1024x8xi32>
    %broadcast_in_dim3A_125 = arith.constant 0 : i32
    %broadcast_in_dim3A_126 = vector.broadcast %broadcast_in_dim3A_125 : i32 to vector<16x8xi32>
    %slice3A_127 = vector.extract_strided_slice %add3A_124 {offsets = [0, 0], sizes = [1008, 8], strides = [1, 1]} : vector<1024x8xi32> to vector<1008x8xi32>
    %concatenate3A_128 = tpu.concatenate %broadcast_in_dim3A_126, %slice3A_127 in 0 : vector<16x8xi32>, vector<1008x8xi32> -> vector<1024x8xi32>
    %add3A_129 = arith.addi %add3A_124, %concatenate3A_128 : vector<1024x8xi32>
    %broadcast_in_dim3A_130 = arith.constant 0 : i32
    %broadcast_in_dim3A_131 = vector.broadcast %broadcast_in_dim3A_130 : i32 to vector<32x8xi32>
    %slice3A_132 = vector.extract_strided_slice %add3A_129 {offsets = [0, 0], sizes = [992, 8], strides = [1, 1]} : vector<1024x8xi32> to vector<992x8xi32>
    %concatenate3A_133 = tpu.concatenate %broadcast_in_dim3A_131, %slice3A_132 in 0 : vector<32x8xi32>, vector<992x8xi32> -> vector<1024x8xi32>
    %add3A_134 = arith.addi %add3A_129, %concatenate3A_133 : vector<1024x8xi32>
    %broadcast_in_dim3A_135 = arith.constant 0 : i32
    %broadcast_in_dim3A_136 = vector.broadcast %broadcast_in_dim3A_135 : i32 to vector<64x8xi32>
    %slice3A_137 = vector.extract_strided_slice %add3A_134 {offsets = [0, 0], sizes = [960, 8], strides = [1, 1]} : vector<1024x8xi32> to vector<960x8xi32>
    %concatenate3A_138 = tpu.concatenate %broadcast_in_dim3A_136, %slice3A_137 in 0 : vector<64x8xi32>, vector<960x8xi32> -> vector<1024x8xi32>
    %add3A_139 = arith.addi %add3A_134, %concatenate3A_138 : vector<1024x8xi32>
    %broadcast_in_dim3A_140 = arith.constant 0 : i32
    %broadcast_in_dim3A_141 = vector.broadcast %broadcast_in_dim3A_140 : i32 to vector<128x8xi32>
    %slice3A_142 = vector.extract_strided_slice %add3A_139 {offsets = [0, 0], sizes = [896, 8], strides = [1, 1]} : vector<1024x8xi32> to vector<896x8xi32>
    %concatenate3A_143 = tpu.concatenate %broadcast_in_dim3A_141, %slice3A_142 in 0 : vector<128x8xi32>, vector<896x8xi32> -> vector<1024x8xi32>
    %add3A_144 = arith.addi %add3A_139, %concatenate3A_143 : vector<1024x8xi32>
    %broadcast_in_dim3A_145 = arith.constant 0 : i32
    %broadcast_in_dim3A_146 = vector.broadcast %broadcast_in_dim3A_145 : i32 to vector<256x8xi32>
    %slice3A_147 = vector.extract_strided_slice %add3A_144 {offsets = [0, 0], sizes = [768, 8], strides = [1, 1]} : vector<1024x8xi32> to vector<768x8xi32>
    %concatenate3A_148 = tpu.concatenate %broadcast_in_dim3A_146, %slice3A_147 in 0 : vector<256x8xi32>, vector<768x8xi32> -> vector<1024x8xi32>
    %add3A_149 = arith.addi %add3A_144, %concatenate3A_148 : vector<1024x8xi32>
    %broadcast_in_dim3A_150 = arith.constant 0 : i32
    %broadcast_in_dim3A_151 = vector.broadcast %broadcast_in_dim3A_150 : i32 to vector<512x8xi32>
    %slice3A_152 = vector.extract_strided_slice %add3A_149 {offsets = [0, 0], sizes = [512, 8], strides = [1, 1]} : vector<1024x8xi32> to vector<512x8xi32>
    %concatenate3A_153 = tpu.concatenate %broadcast_in_dim3A_151, %slice3A_152 in 0 : vector<512x8xi32>, vector<512x8xi32> -> vector<1024x8xi32>
    %add3A_154 = arith.addi %add3A_149, %concatenate3A_153 : vector<1024x8xi32>
    %sub3A_155 = arith.constant 1 : i32
    %sub3A_156 = vector.broadcast %sub3A_155 : i32 to vector<1024x8xi32>
    %sub3A_157 = arith.subi %add3A_154, %sub3A_156 : vector<1024x8xi32>
    %add3A_158 = vector.broadcast %get3A_46 : vector<1x8xi32> to vector<1024x8xi32>
    %add3A_159 = arith.addi %sub3A_157, %add3A_158 : vector<1024x8xi32>
    %add3A_160 = vector.broadcast %slice3A_104 : vector<1x8xi32> to vector<1024x8xi32>
    %add3A_161 = arith.addi %add3A_159, %add3A_160 : vector<1024x8xi32>
    %mul3A_162 = arith.muli %convert_element_type3A_48, %add3A_161 : vector<1024x8xi32>
    %reduce_sum3A_163 = arith.constant dense<0> : vector<1024xi32>
    %reduce_sum3A_164 = vector.multi_reduction <add>, %mul3A_162, %reduce_sum3A_163 [1] : vector<1024x8xi32> to vector<1024xi32>
    %add3A_165 = arith.addi %get3A_46, %slice3A_104 : vector<1x8xi32>
    %slice3A_166 = vector.extract_strided_slice %add3A_154 {offsets = [1023, 0], sizes = [1, 8], strides = [1, 1]} : vector<1024x8xi32> to vector<1x8xi32>
    %add3A_167 = arith.addi %add3A_165, %slice3A_166 : vector<1x8xi32>
    %swap3A = arith.constant 0 : index
    %swap3A_168 = arith.constant 0 : index
    %swap3A_169 = vector.load %arg11[%swap3A, %swap3A_168] : memref<1x8xi32, #tpu.memory_space<vmem>>, vector<1x8xi32>
    tpu.vector_store %arg11[%swap3A, %swap3A_168], %add3A_167 {strides = array<i32>} : memref<1x8xi32, #tpu.memory_space<vmem>>, vector<1x8xi32>,
    %reshape3A = vector.shape_cast %broadcast_in_dim3A_25 : vector<1024x1xi32> to vector<8x128xi32>
    %swap3A_170 = arith.constant 0 : index
    %swap3A_171 = arith.constant 0 : index
    %swap3A_172 = vector.load %arg4[%swap3A_170, %swap3A_171] : memref<8x128xi32, #tpu.memory_space<vmem>>, vector<8x128xi32>
    tpu.vector_store %arg4[%swap3A_170, %swap3A_171], %reshape3A {strides = array<i32>} : memref<8x128xi32, #tpu.memory_space<vmem>>, vector<8x128xi32>,
    %reshape3A_173 = vector.shape_cast %broadcast_in_dim3A_41 : vector<1024x1xi32> to vector<8x128xi32>
    %swap3A_174 = arith.constant 0 : index
    %swap3A_175 = arith.constant 0 : index
    %swap3A_176 = vector.load %arg5[%swap3A_174, %swap3A_175] : memref<8x128xi32, #tpu.memory_space<vmem>>, vector<8x128xi32>
    tpu.vector_store %arg5[%swap3A_174, %swap3A_175], %reshape3A_173 {strides = array<i32>} : memref<8x128xi32, #tpu.memory_space<vmem>>, vector<8x128xi32>,
    %reshape3A_177 = vector.shape_cast %broadcast_in_dim3A_20 : vector<1024x1xf32> to vector<8x128xf32>
    %swap3A_178 = arith.constant 0 : index
    %swap3A_179 = arith.constant 0 : index
    %swap3A_180 = vector.load %arg6[%swap3A_178, %swap3A_179] : memref<8x128xf32, #tpu.memory_space<vmem>>, vector<8x128xf32>
    tpu.vector_store %arg6[%swap3A_178, %swap3A_179], %reshape3A_177 {strides = array<i32>} : memref<8x128xf32, #tpu.memory_space<vmem>>, vector<8x128xf32>,
    %reshape3A_181 = vector.shape_cast %broadcast_in_dim3A_33 : vector<1024x1xf32> to vector<8x128xf32>
    %swap3A_182 = arith.constant 0 : index
    %swap3A_183 = arith.constant 0 : index
    %swap3A_184 = vector.load %arg7[%swap3A_182, %swap3A_183] : memref<8x128xf32, #tpu.memory_space<vmem>>, vector<8x128xf32>
    tpu.vector_store %arg7[%swap3A_182, %swap3A_183], %reshape3A_181 {strides = array<i32>} : memref<8x128xf32, #tpu.memory_space<vmem>>, vector<8x128xf32>,
    %reshape3A_185 = vector.shape_cast %reduce_sum3A_103 : vector<1024xi32> to vector<8x128xi32>
    %swap3A_186 = arith.constant 0 : index
    %swap3A_187 = arith.constant 0 : index
    %swap3A_188 = vector.load %arg8[%swap3A_186, %swap3A_187] : memref<8x128xi32, #tpu.memory_space<vmem>>, vector<8x128xi32>
    tpu.vector_store %arg8[%swap3A_186, %swap3A_187], %reshape3A_185 {strides = array<i32>} : memref<8x128xi32, #tpu.memory_space<vmem>>, vector<8x128xi32>,
    %reshape3A_189 = vector.shape_cast %reduce_sum3A_164 : vector<1024xi32> to vector<8x128xi32>
    %swap3A_190 = arith.constant 0 : index
    %swap3A_191 = arith.constant 0 : index
    %swap3A_192 = vector.load %arg9[%swap3A_190, %swap3A_191] : memref<8x128xi32, #tpu.memory_space<vmem>>, vector<8x128xi32>
    tpu.vector_store %arg9[%swap3A_190, %swap3A_191], %reshape3A_189 {strides = array<i32>} : memref<8x128xi32, #tpu.memory_space<vmem>>, vector<8x128xi32>,
    %broadcast_in_dim3A_193 = vector.shape_cast %add3A_167 : vector<1x8xi32> to vector<1x8xi32>
    %broadcast_in_dim3A_194 = vector.broadcast %broadcast_in_dim3A_193 : vector<1x8xi32> to vector<8x8xi32>
    %swap3A_195 = arith.constant 0 : index
    %swap3A_196 = arith.constant 0 : index
    %swap3A_197 = vector.load %arg10[%swap3A_195, %swap3A_196] : memref<8x8xi32, #tpu.memory_space<vmem>>, vector<8x8xi32>
    tpu.vector_store %arg10[%swap3A_195, %swap3A_196], %broadcast_in_dim3A_194 {strides = array<i32>} : memref<8x8xi32, #tpu.memory_space<vmem>>, vector<8x8xi32>,
    return
  }
  func.func @transform_0(%arg0: i32) -> (i32, i32) {
    %c0_i32 = arith.constant 0 : i32
    %c0_i32_0 = arith.constant 0 : i32
    return %arg0, %c0_i32 : i32, i32
  }
  func.func @transform_1(%arg0: i32) -> (i32, i32) {
    %c0_i32 = arith.constant 0 : i32
    %c0_i32_0 = arith.constant 0 : i32
    %c0_i32_1 = arith.constant 0 : i32
    return %c0_i32, %c0_i32_0 : i32, i32
  }
  func.func @transform_2(%arg0: i32) -> (i32, i32) {
    %c0_i32 = arith.constant 0 : i32
    %c0_i32_0 = arith.constant 0 : i32
    %c0_i32_1 = arith.constant 0 : i32
    return %c0_i32, %c0_i32_0 : i32, i32
  }
  func.func @transform_3(%arg0: i32) -> (i32, i32) {
    %c0_i32 = arith.constant 0 : i32
    %c0_i32_0 = arith.constant 0 : i32
    return %arg0, %c0_i32 : i32, i32
  }
  func.func @transform_4(%arg0: i32) -> (i32, i32) {
    %c0_i32 = arith.constant 0 : i32
    %c0_i32_0 = arith.constant 0 : i32
    return %arg0, %c0_i32 : i32, i32
  }
  func.func @transform_5(%arg0: i32) -> (i32, i32) {
    %c0_i32 = arith.constant 0 : i32
    %c0_i32_0 = arith.constant 0 : i32
    return %arg0, %c0_i32 : i32, i32
  }
  func.func @transform_6(%arg0: i32) -> (i32, i32) {
    %c0_i32 = arith.constant 0 : i32
    %c0_i32_0 = arith.constant 0 : i32
    return %arg0, %c0_i32 : i32, i32
  }
  func.func @transform_7(%arg0: i32) -> (i32, i32) {
    %c0_i32 = arith.constant 0 : i32
    %c0_i32_0 = arith.constant 0 : i32
    return %arg0, %c0_i32 : i32, i32
  }
  func.func @transform_8(%arg0: i32) -> (i32, i32) {
    %c0_i32 = arith.constant 0 : i32
    %c0_i32_0 = arith.constant 0 : i32
    return %arg0, %c0_i32 : i32, i32
  }
  func.func @transform_9(%arg0: i32) -> (i32, i32) {
    %c0_i32 = arith.constant 0 : i32
    %c0_i32_0 = arith.constant 0 : i32
    %c0_i32_1 = arith.constant 0 : i32
    return %c0_i32, %c0_i32_0 : i32, i32
  }
}

module attributes {stable_mosaic.version = 14 : i64} {
  func.func @_seg_matmul(%arg0: i32, %arg1: memref<136xi32, #tpu.memory_space<smem>>, %arg2: memref<512x768xf32, #tpu.memory_space<vmem>>, %arg3: memref<1x768x768xbf16, #tpu.memory_space<vmem>>, %arg4: memref<1x1x768xf32, #tpu.memory_space<vmem>>, %arg5: memref<512x768xf32, #tpu.memory_space<vmem>>) attributes {dimension_semantics = [#tpu.dimension_semantics<arbitrary>], iteration_bounds = array<i64: 136>, scalar_prefetch = 1 : i64, scratch_operands = 0 : i64, tpu.core_type = #tpu.core_type<tc>, window_params = [{transform_indices = @transform_0, window_bounds = array<i64: 512, 768>}, {transform_indices = @transform_1, window_bounds = array<i64: 1, 768, 768>}, {transform_indices = @transform_2, window_bounds = array<i64: 1, 1, 768>}, {transform_indices = @transform_3, window_bounds = array<i64: 512, 768>}]} {
    %get3A = arith.constant 0 : index
    %get3A_0 = arith.constant 0 : index
    %get3A_1 = vector.load %arg2[%get3A, %get3A_0] : memref<512x768xf32, #tpu.memory_space<vmem>>, vector<512x768xf32>
    %convert_element_type3A = arith.truncf %get3A_1 : vector<512x768xf32> to vector<512x768xbf16>
    %get3A_2 = arith.constant 0 : index
    %get3A_3 = arith.constant 0 : index
    %get3A_4 = arith.constant 0 : index
    %get3A_5 = vector.load %arg3[%get3A_2, %get3A_3, %get3A_4] : memref<1x768x768xbf16, #tpu.memory_space<vmem>>, vector<1x768x768xbf16>
    %get3A_6 = vector.shape_cast %get3A_5 : vector<1x768x768xbf16> to vector<768x768xbf16>
    %dot_general3A = arith.constant dense<0.000000e+00> : vector<512x768xf32>
    %dot_general3A_7 = tpu.matmul %convert_element_type3A, %get3A_6, %dot_general3A {dimension_numbers = #tpu.dot_dimension_numbers<[1], [0], [0], [1], [0, 0, 1, 1], [], []>, transpose_lhs_hint = false} : vector<512x768xbf16>, vector<768x768xbf16>, vector<512x768xf32> -> vector<512x768xf32>
    %get3A_8 = arith.constant 0 : index
    %get3A_9 = arith.constant 0 : index
    %get3A_10 = arith.constant 0 : index
    %get3A_11 = vector.load %arg4[%get3A_8, %get3A_9, %get3A_10] : memref<1x1x768xf32, #tpu.memory_space<vmem>>, vector<1x1x768xf32>
    %get3A_12 = vector.shape_cast %get3A_11 : vector<1x1x768xf32> to vector<1x768xf32>
    %add3A = vector.broadcast %get3A_12 : vector<1x768xf32> to vector<512x768xf32>
    %add3A_13 = arith.addf %dot_general3A_7, %add3A : vector<512x768xf32>
    %swap3A = arith.constant 0 : index
    %swap3A_14 = arith.constant 0 : index
    %swap3A_15 = vector.load %arg5[%swap3A, %swap3A_14] : memref<512x768xf32, #tpu.memory_space<vmem>>, vector<512x768xf32>
    tpu.vector_store %arg5[%swap3A, %swap3A_14], %add3A_13 {strides = array<i32>} : memref<512x768xf32, #tpu.memory_space<vmem>>, vector<512x768xf32>,
    return
  }
  func.func @transform_0(%arg0: i32, %arg1: memref<136xi32, #tpu.memory_space<smem>>) -> (i32, i32) {
    %c0_i32 = arith.constant 0 : i32
    %c0_i32_0 = arith.constant 0 : i32
    return %arg0, %c0_i32 : i32, i32
  }
  func.func @transform_1(%arg0: i32, %arg1: memref<136xi32, #tpu.memory_space<smem>>) -> (i32, i32, i32) {
    %get3A = arith.index_cast %arg0 : i32 to index
    %get3A_0 = memref.load %arg1[%get3A] : memref<136xi32, #tpu.memory_space<smem>>
    %c0_i32 = arith.constant 0 : i32
    %c0_i32_1 = arith.constant 0 : i32
    %c0_i32_2 = arith.constant 0 : i32
    return %get3A_0, %c0_i32, %c0_i32_1 : i32, i32, i32
  }
  func.func @transform_2(%arg0: i32, %arg1: memref<136xi32, #tpu.memory_space<smem>>) -> (i32, i32, i32) {
    %get3A = arith.index_cast %arg0 : i32 to index
    %get3A_0 = memref.load %arg1[%get3A] : memref<136xi32, #tpu.memory_space<smem>>
    %c0_i32 = arith.constant 0 : i32
    %c0_i32_1 = arith.constant 0 : i32
    %c0_i32_2 = arith.constant 0 : i32
    return %get3A_0, %c0_i32, %c0_i32_1 : i32, i32, i32
  }
  func.func @transform_3(%arg0: i32, %arg1: memref<136xi32, #tpu.memory_space<smem>>) -> (i32, i32) {
    %c0_i32 = arith.constant 0 : i32
    %c0_i32_0 = arith.constant 0 : i32
    return %arg0, %c0_i32 : i32, i32
  }
}

module attributes {stable_mosaic.version = 14 : i64} {
  func.func @_combine_block(%arg0: i32, %arg1: memref<512x768xf32, #tpu.memory_space<vmem>>, %arg2: memref<512x768xf32, #tpu.memory_space<vmem>>, %arg3: memref<512x1xf32, #tpu.memory_space<vmem>>, %arg4: memref<512x1xf32, #tpu.memory_space<vmem>>, %arg5: memref<512x768xf32, #tpu.memory_space<vmem>>) attributes {dimension_semantics = [#tpu.dimension_semantics<arbitrary>], iteration_bounds = array<i64: 64>, scalar_prefetch = 0 : i64, scratch_operands = 0 : i64, tpu.core_type = #tpu.core_type<tc>, window_params = [{transform_indices = @transform_0, window_bounds = array<i64: 512, 768>}, {transform_indices = @transform_1, window_bounds = array<i64: 512, 768>}, {transform_indices = @transform_2, window_bounds = array<i64: 512, 1>}, {transform_indices = @transform_3, window_bounds = array<i64: 512, 1>}, {transform_indices = @transform_4, window_bounds = array<i64: 512, 768>}]} {
    %get3A = arith.constant 0 : index
    %get3A_0 = arith.constant 0 : index
    %get3A_1 = vector.load %arg3[%get3A, %get3A_0] : memref<512x1xf32, #tpu.memory_space<vmem>>, vector<512x1xf32>
    %get3A_2 = arith.constant 0 : index
    %get3A_3 = arith.constant 0 : index
    %get3A_4 = vector.load %arg1[%get3A_2, %get3A_3] : memref<512x768xf32, #tpu.memory_space<vmem>>, vector<512x768xf32>
    %mul3A = vector.broadcast %get3A_1 : vector<512x1xf32> to vector<512x768xf32>
    %mul3A_5 = arith.mulf %mul3A, %get3A_4 : vector<512x768xf32>
    %get3A_6 = arith.constant 0 : index
    %get3A_7 = arith.constant 0 : index
    %get3A_8 = vector.load %arg4[%get3A_6, %get3A_7] : memref<512x1xf32, #tpu.memory_space<vmem>>, vector<512x1xf32>
    %get3A_9 = arith.constant 0 : index
    %get3A_10 = arith.constant 0 : index
    %get3A_11 = vector.load %arg2[%get3A_9, %get3A_10] : memref<512x768xf32, #tpu.memory_space<vmem>>, vector<512x768xf32>
    %mul3A_12 = vector.broadcast %get3A_8 : vector<512x1xf32> to vector<512x768xf32>
    %mul3A_13 = arith.mulf %mul3A_12, %get3A_11 : vector<512x768xf32>
    %add3A = arith.addf %mul3A_5, %mul3A_13 : vector<512x768xf32>
    %swap3A = arith.constant 0 : index
    %swap3A_14 = arith.constant 0 : index
    %swap3A_15 = vector.load %arg5[%swap3A, %swap3A_14] : memref<512x768xf32, #tpu.memory_space<vmem>>, vector<512x768xf32>
    tpu.vector_store %arg5[%swap3A, %swap3A_14], %add3A {strides = array<i32>} : memref<512x768xf32, #tpu.memory_space<vmem>>, vector<512x768xf32>,
    return
  }
  func.func @transform_0(%arg0: i32) -> (i32, i32) {
    %c0_i32 = arith.constant 0 : i32
    %c0_i32_0 = arith.constant 0 : i32
    return %arg0, %c0_i32 : i32, i32
  }
  func.func @transform_1(%arg0: i32) -> (i32, i32) {
    %c0_i32 = arith.constant 0 : i32
    %c0_i32_0 = arith.constant 0 : i32
    return %arg0, %c0_i32 : i32, i32
  }
  func.func @transform_2(%arg0: i32) -> (i32, i32) {
    %c0_i32 = arith.constant 0 : i32
    %c0_i32_0 = arith.constant 0 : i32
    return %arg0, %c0_i32 : i32, i32
  }
  func.func @transform_3(%arg0: i32) -> (i32, i32) {
    %c0_i32 = arith.constant 0 : i32
    %c0_i32_0 = arith.constant 0 : i32
    return %arg0, %c0_i32 : i32, i32
  }
  func.func @transform_4(%arg0: i32) -> (i32, i32) {
    %c0_i32 = arith.constant 0 : i32
    %c0_i32_0 = arith.constant 0 : i32
    return %arg0, %c0_i32 : i32, i32
  }
}

</mosaic_0001>

<sc_bundles>
// kernel: kernel.10.cloned.1.call-start
scs
__scs_entry_jumppad:
0x0: {  	(pc) =	sbr.rel $0x88, $3  }
0x1: {  	(tag) =	ssettag $0x0;
	lr =	simm.s32 $0x1  }
0x2: {  	[smem:$0x3F9C] =	sst lr;
	_ =	strace $0xD0000000  }
0x3: {  	_ = 	snop  }
0x4: {  	_ = 	snop  }
0x5: {  	_ = 	snop  }
0x6: {  	_ = 	snop  }
0x7: {  	_ = 	snop  }
__scs_overlays_trampoline_lowered:
0x8: {  	[smem:$0x3FAB] =	sst s0  }
0x9: {  	[smem:$0x3FAC] =	sst s1  }
0xa: {  	[smem:$0x3FAD] =	sst s2  }
0xb: {  	[smem:$0x3FAE] =	sst s3  }
0xc: {  	[smem:$0x3FAF] =	sst s4  }
0xd: {  	[smem:$0x3FB0] =	sst s5  }
0xe: {  	[smem:$0x3FB1] =	sst s6  }
0xf: {  	[smem:$0x3FB2] =	sst s7  }
0x10: {  	[smem:$0x3FB3] =	sst s8  }
0x11: {  	[smem:$0x3FB4] =	sst s9;
	s0 =	simm.s32 @!p0 $0x0  }
0x12: {  	s1 =	sld [smem:$0x3F9A];
	s0 =	simm.s32 @p0 $0x1  }
0x13: {  	[smem:$0x3FB5] =	sst s0;
	s0 =	simm.s32 @!p1 $0x0  }
0x14: {  	s2 =	sld [smem:$0x3F99];
	s0 =	simm.s32 @p1 $0x1  }
0x15: {  	[smem:$0x3FB6] =	sst s0;
	s0 =	simm.s32 @!p2 $0x0  }
0x16: {  	s3 =	sld [smem:$0x3FDB];
	s0 =	simm.s32 @p2 $0x1  }
0x17: {  	s4 =	simm.s32 $0x1BF5;
	[smem:$0x3FB8] =	sst s0  }
0x18: {  	s0 =	sld [smem:$0x3F9B];
	_ =	swait.ge [sflag:s4], $0x0  }
0x19: {  	s7 =	sld [smem:$0x3F9C]  }
0x1a: {  	s8 =	sadd.s32 $0xFFFFE003, lr  }
0x1b: {  	s9 =	sadd.s32 $0xFFFFFEF7, lr;
	s5 =	simm.s32 $0xFFFFFFFF;
	p2 =	slt.u32 s8, $0xFFFFF086  }
0x1c: {  	p1 =	slt.u32 s9, $0xF7A;
	s5 =	simm.s32 @!p2 $0x0  }
0x1d: {  	s5 =	simm.s32 @p1 $0x1;
	p0 =	seq.s32 s7, s2  }
0x1e: {  	s7 =	smul.u32 @!p0 $0xF7A, s2;
	p2 =	seq.s32 @!p0 s5, $0x0  }
0x1f: {  	s9 =	smul.u32 $0xF7A, s1;
	s8 =	simm.s32 @!p0 $0x1BF5;
	p2 =	por !p2, p0  }
0x20: {  	[sflag:s8] =	ssyncset.s32 @!p0 $0xFFFFF086;
	s6 =	sadd.s32 @!p0 s3, s7;
	s7 =	simm.s32 @!p0 $0x108  }
0x21: {  	s3 =	sadd.s32 s3, s9;
	s6 =	sadd.s32 @!p0 $0x88, s6;
	s7 =	simm.s32 @p2 $0x1082  }
0x22: {  	[simem:s7], [sflag:s8] =	dma.local @!p0 [hbm:s6], $0xF7A  }
0x23: {  	s9 =	sor.u32 $0xD0000000, s2;
	s6 =	simm.s32 $0x108;
	_ =	swait.ge @!p0 [sflag:s8], $0x0  }
0x24: {  	s3 =	sadd.s32 $0x88, s3;
	s6 =	simm.s32 @!p1 $0x1082;
	[sflag:s4] =	ssyncset.s32 $0xFFFFF086  }
0x25: {  	[simem:s6], [sflag:s4] =	dma.local [hbm:s3], $0xF7A  }
0x26: {  	[smem:$0x3F9C] =	sst s1;
	(tag) =	ssettag s2;
	_ =	strace s9  }
0x27: {  	s1 =	sld [smem:$0x3FAC]  }
0x28: {  	s2 =	sld [smem:$0x3FAD]  }
0x29: {  	s4 =	sld [smem:$0x3FAF]  }
0x2a: {  	p0 =	seq.s32 s5, $0x0;
	s5 =	sld [smem:$0x3FB0]  }
0x2b: {  	s6 =	sld [smem:$0x3FB1]  }
0x2c: {  	s7 =	sld [smem:$0x3FB2]  }
0x2d: {  	s3 =	simm.s32 $0x108;
	s8 =	sld [smem:$0x3FB3]  }
0x2e: {  	s3 =	simm.s32 @!p0 $0x1082;
	s9 =	sld [smem:$0x3FB4]  }
0x2f: {  	lr =	sadd.s32 s0, s3;
	s0 =	sld [smem:$0x3FAB]  }
0x30: {  	s3 =	sld [smem:$0x3FAE]  }
0x31: {  	[smem:$0x3FB7] =	sst s10  }
0x32: {  	s10 =	sld [smem:$0x3FB5];
	_ =	sdelay $0x3  }
0x33: {  	p0 =	seq.s32 s10, $0x1;
	s10 =	sld [smem:$0x3FB7];
	_ =	sdelay $0x3  }
0x34: {  	[smem:$0x3FB7] =	sst s10  }
0x35: {  	s10 =	sld [smem:$0x3FB6];
	_ =	sdelay $0x3  }
0x36: {  	p1 =	seq.s32 s10, $0x1;
	s10 =	sld [smem:$0x3FB7];
	_ =	sdelay $0x3  }
0x37: {  	[smem:$0x3FB7] =	sst s10  }
0x38: {  	s10 =	sld [smem:$0x3FB8]  }
0x39: {  	_ = 	snop;
	(pc) =	sbr.ind lr, $3  }
0x3a: {  	_ = 	snop  }
0x3b: {  	_ = 	snop  }
0x3c: {  	p2 =	seq.s32 s10, $0x1;
	s10 =	sld [smem:$0x3FB7]  }
0x3d: {  	_ =	shalt  }
0x3e: {  	_ =	shalt  }
0x3f: {  	_ =	shalt  }
0x40: {  	_ =	shalt  }
0x41: {  	_ =	shalt  }
0x42: {  	_ =	shalt  }
0x43: {  	_ =	shalt  }
0x44: {  	_ =	shalt  }
0x45: {  	_ =	shalt  }
0x46: {  	_ =	shalt  }
0x47: {  	_ =	shalt  }
0x48: {  	_ =	shalt  }
0x49: {  	_ =	shalt  }
0x4a: {  	_ =	shalt  }
0x4b: {  	_ =	shalt  }
0x4c: {  	_ =	shalt  }
0x4d: {  	_ =	shalt  }
0x4e: {  	_ =	shalt  }
0x4f: {  	_ =	shalt  }
0x50: {  	_ =	shalt  }
0x51: {  	_ =	shalt  }
0x52: {  	_ =	shalt  }
0x53: {  	_ =	shalt  }
0x54: {  	_ =	shalt  }
0x55: {  	_ =	shalt  }
0x56: {  	_ =	shalt  }
0x57: {  	_ =	shalt  }
0x58: {  	_ =	shalt  }
0x59: {  	_ =	shalt  }
0x5a: {  	_ =	shalt  }
0x5b: {  	_ =	shalt  }
0x5c: {  	_ =	shalt  }
0x5d: {  	_ =	shalt  }
0x5e: {  	_ =	shalt  }
0x5f: {  	_ =	shalt  }
0x60: {  	_ =	shalt  }
0x61: {  	_ =	shalt  }
0x62: {  	_ =	shalt  }
0x63: {  	_ =	shalt  }
0x64: {  	_ =	shalt  }
0x65: {  	_ =	shalt  }
0x66: {  	_ =	shalt  }
0x67: {  	_ =	shalt  }
0x68: {  	_ =	shalt  }
0x69: {  	_ =	shalt  }
0x6a: {  	_ =	shalt  }
0x6b: {  	_ =	shalt  }
0x6c: {  	_ =	shalt  }
0x6d: {  	_ =	shalt  }
0x6e: {  	_ =	shalt  }
0x6f: {  	_ =	shalt  }
0x70: {  	_ =	shalt  }
0x71: {  	_ =	shalt  }
0x72: {  	_ =	shalt  }
0x73: {  	_ =	shalt  }
0x74: {  	_ =	shalt  }
0x75: {  	_ =	shalt  }
0x76: {  	_ =	shalt  }
0x77: {  	_ =	shalt  }
0x78: {  	_ =	shalt  }
0x79: {  	_ =	shalt  }
0x7a: {  	_ =	shalt  }
0x7b: {  	_ =	shalt  }
0x7c: {  	_ =	shalt  }
0x7d: {  	_ =	shalt  }
0x7e: {  	_ =	shalt  }
0x7f: {  	_ =	shalt  }
0x80: {  	_ =	shalt  }
0x81: {  	_ =	shalt  }
0x82: {  	_ =	shalt  }
0x83: {  	_ =	shalt  }
0x84: {  	_ =	shalt  }
0x85: {  	_ =	shalt  }
0x86: {  	_ =	shalt  }
0x87: {  	_ =	shalt  }
.Lfunc_end0:
.L_simem_size_0:
called_computation.1_lowered:
.L_overlay_start_0:
0x88: {  	s2 =	sld [smem:$0x3FD9]  }
0x89: {  	s3 =	sld [smem:$0x3FFE];
	_ =	sdelay $0x1  }
0x8a: {  	s1 =	srdreg.scid  }
0x8b: {  	s0 =	sand.u32 $0x1, s1  }
0x8c: {  	s17 =	sshll.u32 s0, $0xA;
	s2 =	sadd.s32 s3, s2  }
0x8d: {  	s2 =	sadd.s32 s2, s17  }
0x8e: {  	[smem:$0x3FC3] =	sst s2  }
0x8f: {  	_ = 	snop  }
0x90: {  	s2 =	sld [smem:$0x3FD0];
	(tm) =	ssettm $0x1  }
0x91: {  	s18 =	sld [smem:$0x3FFB];
	_ =	sdelay $0x3  }
0x92: {  	_ =	strace s18  }
0x93: {  	s3 =	sld [smem:$0x3FFC];
	_ =	sdelay $0x3  }
0x94: {  	_ =	strace s3  }
0x95: {  	s3 =	sld [smem:$0x3FFD];
	_ =	sdelay $0x3  }
0x96: {  	_ =	strace s3  }
0x97: {  	_ =	strace $0x8FFFFFFF  }
0x98: {  	s19 =	sld [smem:$0x3FDB];
	_ =	sdelay $0x1  }
0x99: {  	s4 =	simm.s32 $_scs_section_size  }
0x9a: {  	s5 =	simm.s32 $_size__tile_overlayer_lowered;
	s6 =	simm.s32 $_tile_overlayer_lowered  }
0x9b: {  	s22 =	simm.s32 $0x1BFF;
	s21 =	sshll.u32 s6, $0x1;
	s3 =	sadd.s32 s4, s19  }
0x9c: {  	s7 =	simm.s32 $0x0;
	s20 =	sshll.u32 s5, $0x1;
	s5 =	sadd.s32 s21, s3  }
0x9d: {  	[timem:s7], [sflag:s22] =	dma.local [hbm:s5], s20  }
0x9e: {  	_ =	swait.ge [sflag:s22], s20  }
0x9f: {  	s4 =	ssub.s32 $0x0, s20;
	[sflag:s22] =	ssyncset.done $0x0  }
0xa0: {  	[sflag:s22] =	ssyncadd.s32 s4;
	_ =	sdelay $0x1  }
0xa1: {  	s23 =	simm.s32 $0x1B8B  }
0xa2: {  	_ =	swait.ge [sflag:s23], $0x1  }
0xa3: {  	[sflag:s23] =	ssyncset.done $0x0  }
0xa4: {  	s25 =	simm.s32 $0x1B8E;
	s24 =	sld [smem:$0x3FFE];
	[sflag:s23] =	ssyncadd.s32 $0xFFFFFFFF  }
0xa5: {  	s26 =	simm.s32 $execute0_lowered;
	[smem:$0x3FD2] =	sst s25  }
0xa6: {  	s5 =	sshll.u32 s26, $0x1;
	_ =	strace $0x80000049;
	[dreg:$0x1] =	wrdreg $0xFFFFFFFF  }
0xa7: {  	s28 =	simm.s32 $_size_execute0_lowered;
	s3 =	sadd.s32 s3, s5;
	[dreg:$0x0] =	wrdreg $0x0  }
0xa8: {  	s5 =	sshll.u32 s28, $0x1;
	[dreg:$0x2] =	wrdreg s3  }
0xa9: {  	[dreg:$0x3] =	wrdreg s5  }
0xaa: {  	[dreg:$0x4] =	wrdreg $0xC0  }
0xab: {  	_ =	task [dreg:s7], $0x5FFFF  }
0xac: {  	[dreg:$0x1] =	wrdreg $0xFFFFFFFF  }
0xad: {  	[dreg:$0x0] =	wrdreg $0x60  }
0xae: {  	[dreg:$0x2] =	wrdreg s24  }
0xaf: {  	[dreg:$0x3] =	wrdreg s2  }
0xb0: {  	[dreg:$0x4] =	wrdreg $0x9  }
0xb1: {  	_ =	task.clear_ibuf [dreg:s7], $0x5FFFF;
	_ =	strace $0x90000049  }
0xb2: {  	s29 =	simm.s32 $0x9;
	_ =	strace $0x8000004B  }
0xb3: {  	_ =	swait.ge [sflag:s29], $0x1  }
0xb4: {  	[sflag:s29] =	ssyncadd.s32 $0xFFFFFFFF  }
0xb5: {  	_ =	strace $0x9000004B  }
0xb6: {  	_ =	sfence  }
0xb7: {  	s30 =	sld [smem:$0x0];
	_ =	sdelay $0x2  }
0xb8: {  	s31 =	sshll.u32 s1, $0xD;
	s1 =	sshrl.u32 s1, $0x2  }
0xb9: {  	s3 =	sand.u32 $0x4000, s31;
	s1 =	sadd.s32 s1, s30  }
0xba: {  	s0 =	sor.u32 s3, s0;
	s1 =	sshll.u32 s1, $0x11  }
0xbb: {  	s0 =	sor.u32 s1, s0  }
0xbc: {  	s0 =	sadd.s32 $0x8F2B, s0  }
0xbd: {  	[sflag:s0] =	ssyncadd.remote.s32 $0x1  }
0xbe: {  	_ =	sfence.sel $0xFFFF  }
0xbf: {  	[dreg:$0x0] =	wrdreg $0xFFFFFFFF;
	(pc) =	sbr.abs _section_cstart, $3  }
0xc0: {  	[dreg:$0x1] =	wrdreg $0xFFFFFFFF  }
0xc1: {  	_ =	task.clear_ibuf [dreg:s7], $0x2FFFF;
	_ =	strace $0x9FFFFFFF  }
0xc2: {  	(tm) =	ssettm $0x7FFFFFFF  }
0xc3: {  	_ =	shalt  }
tec
execute0_lowered:
.L_overlay_start_1:
0x0: {  	(tag) =	ssettag $0x1  }
0x1: {  	s0 =	rddreg [dreg:$0x0]  }
0x2: {  	s1 =	rddreg [dreg:$0x1];
	s3 =	srdreg.scid  }
0x3: {  	s12 =	stileid.u32;
	s2 =	simm.s32 $0x0;
	s20 =	simm.s32 $0x6800  }
0x4: {  	s21 =	simm.s32 $0xA000;
	s26 =	simm.s32 $0x3000;
	s28 =	simm.s32 $0x2  }
0x5: {  	s29 =	simm.s32 $0x1;
	s30 =	simm.s32 $0x7000;
	s31 =	simm.s32 $0xD000  }
0x6: {  	s9 =	sand.u32 $0x1, s3;
	s22 =	sshll.u32 s12, $0x1;
	[smem:$0x7FF] =	sst s2  }
0x7: {  	s3 =	sadd.s32 $0x66A200, s0;
	s10 =	sadd.s32 $0xA200, s0;
	s11 =	sadd.s32 $0x30A200, s0  }
0x8: {  	s24 =	smul.u32 $0x30000, s12;
	s6 =	sor.u32 s9, s22;
	_ =	strace $0x8000004A  }
0x9: {  	s5 =	ssub.s32 $0x2, s9;
	s25 =	smul.u32 $0x18000, s9;
	s22 =	simm.s32 $0xA800  }
0xa: {  	[dreg:$0x3] =	wrdreg s26;
	s26 =	simm.s32 $0xC800;
	s4 =	sshll.u32 s6, $0xA  }
0xb: {  	s8 =	sshrl.u32 s5, $0x1;
	s23 =	smul.u32 $0x18000, s6;
	s13 =	sadd.s32 s24, s10  }
0xc: {  	s7 =	sadd.s32 s4, s0;
	s8 =	ssub.s32 s5, s8;
	s4 =	sadd.s32 s1, s4  }
0xd: {  	s5 =	sadd.s32 $0x66A300, s0;
	s17 =	sadd.s32 s25, s13;
	s13 =	simm.s32 $0x3  }
0xe: {  	s6 =	sadd.s32 $0x2200, s7;
	s7 =	sadd.s32 $0x66A400, s0;
	s8 =	smax.u32 s8, $0x1  }
0xf: {  	v2 =	vlaneseq.u32;
	s1 =	sadd.s32 $0x17A00, s23;
	s0 =	sadd.s32 s24, s11;
	s23 =	simm.s32 $0xB000  }
0x10: {  	vm0 =	vmmov $0xffff;
	v1 =	vshrl.u32 v2, $0x3;
	s24 =	simm.s32 $0xB800;
	s9 =	sadd.s32 s10, s1;
	s10 =	sadd.s32 s11, s1  }
0x11: {  	v0 =	vand.u32 $0x7, v2;
	v2 =	vor.u32 $0x8, v2;
	v1 =	vmul.u32 $0x8, v1;
	s16 =	sadd.s32 s25, s0;
	s25 =	simm.s32 $0xC000;
	s0 =	simm.s32 $0x0  }
.LBB2_1:
0x12: {  	[tilespmem:s2], [sflag:$0x3] =	stream.linear.gather [hbm4b:s4+s2], $0x2000, $0x38;
	[tilespmem:$0x10000] =	vst v63  }
0x13: {  	_ =	swait.ge [sflag:s13], $0x2000  }
0x14: {  	[sflag:s13] =	ssyncset.done $0x0  }
0x15: {  	s1 =	simm.s32 $0x2000;
	[sflag:s13] =	ssyncadd.s32 $0xFFFFE000  }
0x16: {  	[tilespmem:s1], [sflag:$0x3] =	stream.linear.gather [hbm4b:s6+s2], $0x2000, $0x38;
	[tilespmem:$0x10000] =	vst v63  }
0x17: {  	_ =	swait.ge [sflag:s13], $0x2000  }
0x18: {  	[sflag:s13] =	ssyncset.done $0x0  }
0x19: {  	[sflag:s13] =	ssyncadd.s32 $0xFFFFE000  }
0x1a: {  	v3 =	vld [tilespmem:$0x0];
	_ =	sdelay $0x4  }
0x1b: {  	v4 =	vshrl.u32 v3, $0x3  }
0x1c: {  	v4 =	vmul.u32 $0x30, v4  }
0x1d: {  	v3 =	vand.u32 $0x7, v3  }
0x1e: {  	v3 =	vor.u32 v3, v4  }
0x1f: {  	v4 =	vperm.xlane v3, v0;
	_ =	sdelay $0x1  }
0x20: {  	v4 =	vadd.s32 v1, v4;
	_ =	sdelay $0x3  }
0x21: {  	s12 =	simm.s32 $0x4000;
	v3 =	vperm.xlane v3, v2  }
0x22: {  	[tilespmem:s12], [sflag:$0x1] =	stream.indirect_vreg.gather [hbm4b:s3+s2], $0x80, v4, vm0, $0xb8;
	[tilespmem:$0x10000] =	vst v63  }
0x23: {  	s14 =	simm.s32 $0x4800;
	v3 =	vadd.s32 v1, v3  }
0x24: {  	[tilespmem:s14], [sflag:$0x1] =	stream.indirect_vreg.gather [hbm4b:s5+s2], $0x80, v4, vm0, $0xb8;
	[tilespmem:$0x10000] =	vst v63  }
0x25: {  	s15 =	simm.s32 $0x5000  }
0x26: {  	[tilespmem:s15], [sflag:$0x1] =	stream.indirect_vreg.gather [hbm4b:s7+s2], $0x80, v4, vm0, $0xb8;
	[tilespmem:$0x10000] =	vst v63  }
0x27: {  	s18 =	simm.s32 $0x5800  }
0x28: {  	[tilespmem:s18], [sflag:$0x1] =	stream.indirect_vreg.gather [hbm4b:s3+s2], $0x80, v3, vm0, $0xb8;
	[tilespmem:$0x10000] =	vst v63  }
0x29: {  	s19 =	simm.s32 $0x6000  }
0x2a: {  	[tilespmem:s19], [sflag:$0x1] =	stream.indirect_vreg.gather [hbm4b:s5+s2], $0x80, v3, vm0, $0xb8;
	[tilespmem:$0x10000] =	vst v63  }
0x2b: {  	_ = 	snop  }
0x2c: {  	[tilespmem:s20], [sflag:$0x1] =	stream.indirect_vreg.gather [hbm4b:s7+s2], $0x80, v3, vm0, $0xb8;
	[tilespmem:$0x10000] =	vst v63  }
0x2d: {  	v3 =	vld [tilespmem:$0x2000];
	_ =	sdelay $0x4  }
0x2e: {  	v63 =	vshrl.u32 v3, $0x3  }
0x2f: {  	v4 =	vmul.u32 $0x30, v63  }
0x30: {  	v3 =	vand.u32 $0x7, v3  }
0x31: {  	v3 =	vor.u32 v3, v4  }
0x32: {  	v4 =	vperm.xlane v3, v0;
	_ =	sdelay $0x1  }
0x33: {  	v4 =	vadd.s32 v1, v4;
	_ =	sdelay $0x3  }
0x34: {  	v3 =	vperm.xlane v3, v2  }
0x35: {  	[tilespmem:s21], [sflag:$0x2] =	stream.indirect_vreg.gather [hbm4b:s3+s2], $0x80, v4, vm0, $0xb8;
	[tilespmem:$0x10000] =	vst v63  }
0x36: {  	v3 =	vadd.s32 v1, v3  }
0x37: {  	[tilespmem:s22], [sflag:$0x2] =	stream.indirect_vreg.gather [hbm4b:s5+s2], $0x80, v4, vm0, $0xb8;
	[tilespmem:$0x10000] =	vst v63  }
0x38: {  	_ = 	snop  }
0x39: {  	[tilespmem:s23], [sflag:$0x2] =	stream.indirect_vreg.gather [hbm4b:s7+s2], $0x80, v4, vm0, $0xb8;
	[tilespmem:$0x10000] =	vst v63  }
0x3a: {  	_ = 	snop  }
0x3b: {  	[tilespmem:s24], [sflag:$0x2] =	stream.indirect_vreg.gather [hbm4b:s3+s2], $0x80, v3, vm0, $0xb8;
	[tilespmem:$0x10000] =	vst v63  }
0x3c: {  	_ = 	snop  }
0x3d: {  	[tilespmem:s25], [sflag:$0x2] =	stream.indirect_vreg.gather [hbm4b:s5+s2], $0x80, v3, vm0, $0xb8;
	[tilespmem:$0x10000] =	vst v63  }
0x3e: {  	_ = 	snop  }
0x3f: {  	[tilespmem:s26], [sflag:$0x2] =	stream.indirect_vreg.gather [hbm4b:s7+s2], $0x80, v3, vm0, $0xb8;
	[tilespmem:$0x10000] =	vst v63  }
0x40: {  	_ =	swait.ge [sflag:s29], $0x3000  }
0x41: {  	[sflag:s29] =	ssyncset.done $0x0  }
0x42: {  	[sflag:s29] =	ssyncadd.s32 $0xFFFFD000  }
0x43: {  	s11 =	smov.u32 s17;
	_ =	swait.ge [sflag:s28], $0x3000  }
0x44: {  	s1 =	simm.s32 $0x80;
	s12 =	smov.u32 s16;
	[sflag:s28] =	ssyncset.done $0x0  }
0x45: {  	s14 =	simm.s32 $0x2080;
	s15 =	simm.s32 $0x1;
	[sflag:s28] =	ssyncadd.s32 $0xFFFFD000  }
.LBB2_2:
0x46: {  	v3 =	vld [tilespmem:s1+$0x0];
	_ =	sdelay $0x4  }
0x47: {  	v4 =	vshrl.u32 v3, $0x3  }
0x48: {  	v4 =	vmul.u32 $0x30, v4  }
0x49: {  	v3 =	vand.u32 $0x7, v3  }
0x4a: {  	v3 =	vor.u32 v3, v4  }
0x4b: {  	v4 =	vperm.xlane v3, v0;
	_ =	sdelay $0x1  }
0x4c: {  	v4 =	vadd.s32 v1, v4  }
0x4d: {  	s19 =	sand.u32 $0x1, s15  }
0x4e: {  	s18 =	rddreg [dreg:$0x3];
	p0 =	seq.s32 s19, $0x1  }
0x4f: {  	s18 =	simm.s32 @!p0 $0x0  }
0x50: {  	s19 =	sor.u32 $0x4000, s18;
	v3 =	vperm.xlane v3, v2  }
0x51: {  	[tilespmem:s19], [sflag:$0x1] =	stream.indirect_vreg.gather [hbm4b:s3+s2], $0x80, v4, vm0, $0xb8;
	[tilespmem:$0x10000] =	vst v63  }
0x52: {  	v3 =	vadd.s32 v1, v3;
	s19 =	sor.u32 $0x4800, s18  }
0x53: {  	[tilespmem:s19], [sflag:$0x1] =	stream.indirect_vreg.gather [hbm4b:s5+s2], $0x80, v4, vm0, $0xb8;
	[tilespmem:$0x10000] =	vst v63  }
0x54: {  	s19 =	sadd.s32 $0x5000, s18  }
0x55: {  	[tilespmem:s19], [sflag:$0x1] =	stream.indirect_vreg.gather [hbm4b:s7+s2], $0x80, v4, vm0, $0xb8;
	[tilespmem:$0x10000] =	vst v63  }
0x56: {  	s19 =	sadd.s32 $0x5800, s18  }
0x57: {  	[tilespmem:s19], [sflag:$0x1] =	stream.indirect_vreg.gather [hbm4b:s3+s2], $0x80, v3, vm0, $0xb8;
	[tilespmem:$0x10000] =	vst v63  }
0x58: {  	s19 =	sadd.s32 $0x6000, s18  }
0x59: {  	[tilespmem:s19], [sflag:$0x1] =	stream.indirect_vreg.gather [hbm4b:s5+s2], $0x80, v3, vm0, $0xb8;
	[tilespmem:$0x10000] =	vst v63  }
0x5a: {  	s19 =	sadd.s32 $0x6800, s18  }
0x5b: {  	[tilespmem:s19], [sflag:$0x1] =	stream.indirect_vreg.gather [hbm4b:s7+s2], $0x80, v3, vm0, $0xb8;
	[tilespmem:$0x10000] =	vst v63  }
0x5c: {  	v3 =	vld [tilespmem:s14+$0x0];
	_ =	sdelay $0x4  }
0x5d: {  	v63 =	vshrl.u32 v3, $0x3  }
0x5e: {  	v4 =	vmul.u32 $0x30, v63  }
0x5f: {  	v3 =	vand.u32 $0x7, v3  }
0x60: {  	v3 =	vor.u32 v3, v4  }
0x61: {  	v4 =	vperm.xlane v3, v0;
	_ =	sdelay $0x1  }
0x62: {  	v4 =	vadd.s32 v1, v4;
	_ =	sdelay $0x3  }
0x63: {  	s19 =	sadd.s32 $0xA000, s18;
	v3 =	vperm.xlane v3, v2  }
0x64: {  	[tilespmem:s19], [sflag:$0x2] =	stream.indirect_vreg.gather [hbm4b:s3+s2], $0x80, v4, vm0, $0xb8;
	[tilespmem:$0x10000] =	vst v63  }
0x65: {  	v3 =	vadd.s32 v1, v3;
	s19 =	sadd.s32 $0xA800, s18  }
0x66: {  	[tilespmem:s19], [sflag:$0x2] =	stream.indirect_vreg.gather [hbm4b:s5+s2], $0x80, v4, vm0, $0xb8;
	[tilespmem:$0x10000] =	vst v63  }
0x67: {  	s19 =	sadd.s32 $0xB000, s18  }
0x68: {  	[tilespmem:s19], [sflag:$0x2] =	stream.indirect_vreg.gather [hbm4b:s7+s2], $0x80, v4, vm0, $0xb8;
	[tilespmem:$0x10000] =	vst v63  }
0x69: {  	s19 =	sadd.s32 $0xB800, s18  }
0x6a: {  	[tilespmem:s19], [sflag:$0x2] =	stream.indirect_vreg.gather [hbm4b:s3+s2], $0x80, v3, vm0, $0xb8;
	[tilespmem:$0x10000] =	vst v63  }
0x6b: {  	s19 =	sor.u32 $0xC000, s18  }
0x6c: {  	[tilespmem:s19], [sflag:$0x2] =	stream.indirect_vreg.gather [hbm4b:s5+s2], $0x80, v3, vm0, $0xb8;
	[tilespmem:$0x10000] =	vst v63  }
0x6d: {  	s18 =	sor.u32 $0xC800, s18  }
0x6e: {  	[tilespmem:s18], [sflag:$0x2] =	stream.indirect_vreg.gather [hbm4b:s7+s2], $0x80, v3, vm0, $0xb8;
	[tilespmem:$0x10000] =	vst v63  }
0x6f: {  	s18 =	simm.s32 $0x0  }
0x70: {  	s18 =	simm.s32 @!p0 $0x3000  }
0x71: {  	s19 =	sor.u32 $0x4000, s18  }
0x72: {  	[hbm4b:s11+s2] =	stream.linear.scatter [tilespmem:s19], [sflag:$0x3], $0x3000, $0x38;
	[tilespmem:$0x10000] =	vst v63  }
0x73: {  	_ =	swait.ge [sflag:s13], $0x3000  }
0x74: {  	[sflag:s13] =	ssyncset.done $0x0  }
0x75: {  	s18 =	sadd.s32 $0xA000, s18;
	[sflag:s13] =	ssyncadd.s32 $0xFFFFD000  }
0x76: {  	[hbm4b:s12+s2] =	stream.linear.scatter [tilespmem:s18], [sflag:$0x3], $0x3000, $0x38;
	[tilespmem:$0x10000] =	vst v63  }
0x77: {  	_ =	swait.ge [sflag:s13], $0x3000  }
0x78: {  	[sflag:s13] =	ssyncset.done $0x0  }
0x79: {  	[sflag:s13] =	ssyncadd.s32 $0xFFFFD000  }
0x7a: {  	p0 =	sne.s32 s15, $0x3F;
	_ =	swait.ge [sflag:s29], $0x3000  }
.Ltmp0:
0x7b: {  	[sflag:s29] =	ssyncset.done $0x0;
	(pc) =	sbr.rel @p0 .LBB2_2-.Ltmp0, $4  }
0x7c: {  	[sflag:s29] =	ssyncadd.s32 $0xFFFFD000  }
0x7d: {  	s1 =	sadd.s32 $0x80, s1;
	_ =	swait.ge [sflag:s28], $0x3000  }
0x7e: {  	s14 =	sadd.s32 $0x80, s14;
	s15 =	sadd.s32 $0x1, s15;
	[sflag:s28] =	ssyncset.done $0x0  }
0x7f: {  	s11 =	sadd.s32 $0x600, s11;
	s12 =	sadd.s32 $0x600, s12;
	[sflag:s28] =	ssyncadd.s32 $0xFFFFD000  }
0x80: {  	[hbm4b:s9+s2] =	stream.linear.scatter [tilespmem:s30], [sflag:$0x3], $0x3000, $0x38;
	[tilespmem:$0x10000] =	vst v63  }
0x81: {  	s0 =	sadd.s32 $0x1, s0;
	_ =	swait.ge [sflag:s13], $0x3000  }
0x82: {  	p0 =	sne.s32 s0, s8;
	[sflag:s13] =	ssyncset.done $0x0  }
.Ltmp1:
0x83: {  	[sflag:s13] =	ssyncadd.s32 $0xFFFFD000;
	(pc) =	sbr.rel @p0 .LBB2_1-.Ltmp1, $4  }
0x84: {  	[hbm4b:s10+s2] =	stream.linear.scatter [tilespmem:s31], [sflag:$0x3], $0x3000, $0x38;
	[tilespmem:$0x10000] =	vst v63  }
0x85: {  	_ =	swait.ge [sflag:s13], $0x3000  }
0x86: {  	[sflag:s13] =	ssyncset.done $0x0  }
0x87: {  	[sflag:s13] =	ssyncadd.s32 $0xFFFFD000  }
0x88: {  	_ =	sfence.sel $0x180000  }
0x89: {  	[bflag:$0x0] =	sbarrier.arrive $0xFFFF  }
0x8a: {  	_ =	strace $0x9000004A  }
0x8b: {  	s0 =	stileid.u32;
	[bflag:$0x2] =	sbarrier.arrive $0xFFFF  }
0x8c: {  	p0 =	sne.s32 s0, $0x0;
	s0 =	rddreg [dreg:$0x2]  }
0x8d: {  	s0 =	sadd.s32 @!p0 $0x100000, s0  }
0x8e: {  	[sflag:s0] =	ssyncadd.tile.s32 @!p0 $0x1;
	_ =	shalt  }
.Lfunc_end2:
_tile_overlayer_lowered:
.L_overlay_start_2:
0x8f: {  	(tag) =	ssettag $0x2  }
0x90: {  	s0 =	rddreg [dreg:$0x0];
	s2 =	stileid.u32  }
0x91: {  	s1 =	rddreg [dreg:$0x1];
	p0 =	sne.s32 s2, $0x0  }
0x92: {  	s3 =	rddreg [dreg:$0x2];
	[bflag:$0x3] =	sbarrier.arrive $0xFFFF;
	s2 =	simm.s32 @!p0 $0x1C03  }
0x93: {  	[timem:s3], [sflag:s2] =	dma.local @!p0 [hbm:s0], s1  }
0x94: {  	s0 =	simm.s32 @!p0 $0x3  }
0x95: {  	_ =	swait.ge @!p0 [sflag:s0], s1  }
0x96: {  	s1 =	ssub.s32 @!p0 $0x0, s1;
	[sflag:s0] =	ssyncset.done @!p0 $0x0  }
0x97: {  	[sflag:s0] =	ssyncadd.s32 @!p0 s1  }
0x98: {  	[bflag:$0x3] =	sbarrier.arrive $0xFFFF  }
0x99: {  	_ =	shalt  }

// kernel: kernel.7.cloned.1.call-start
scs
__scs_entry_jumppad:
0x0: {  	(pc) =	sbr.rel $0x88, $3  }
0x1: {  	(tag) =	ssettag $0x0;
	lr =	simm.s32 $0x1  }
0x2: {  	[smem:$0x3F9C] =	sst lr;
	_ =	strace $0xD0000000  }
0x3: {  	_ = 	snop  }
0x4: {  	_ = 	snop  }
0x5: {  	_ = 	snop  }
0x6: {  	_ = 	snop  }
0x7: {  	_ = 	snop  }
__scs_overlays_trampoline_lowered:
0x8: {  	[smem:$0x3FAB] =	sst s0  }
0x9: {  	[smem:$0x3FAC] =	sst s1  }
0xa: {  	[smem:$0x3FAD] =	sst s2  }
0xb: {  	[smem:$0x3FAE] =	sst s3  }
0xc: {  	[smem:$0x3FAF] =	sst s4  }
0xd: {  	[smem:$0x3FB0] =	sst s5  }
0xe: {  	[smem:$0x3FB1] =	sst s6  }
0xf: {  	[smem:$0x3FB2] =	sst s7  }
0x10: {  	[smem:$0x3FB3] =	sst s8  }
0x11: {  	[smem:$0x3FB4] =	sst s9;
	s0 =	simm.s32 @!p0 $0x0  }
0x12: {  	s1 =	sld [smem:$0x3F9A];
	s0 =	simm.s32 @p0 $0x1  }
0x13: {  	[smem:$0x3FB5] =	sst s0;
	s0 =	simm.s32 @!p1 $0x0  }
0x14: {  	s2 =	sld [smem:$0x3F99];
	s0 =	simm.s32 @p1 $0x1  }
0x15: {  	[smem:$0x3FB6] =	sst s0;
	s0 =	simm.s32 @!p2 $0x0  }
0x16: {  	s3 =	sld [smem:$0x3FDB];
	s0 =	simm.s32 @p2 $0x1  }
0x17: {  	s4 =	simm.s32 $0x1BF5;
	[smem:$0x3FB8] =	sst s0  }
0x18: {  	s0 =	sld [smem:$0x3F9B];
	_ =	swait.ge [sflag:s4], $0x0  }
0x19: {  	s7 =	sld [smem:$0x3F9C]  }
0x1a: {  	s8 =	sadd.s32 $0xFFFFE003, lr  }
0x1b: {  	s9 =	sadd.s32 $0xFFFFFEF7, lr;
	s5 =	simm.s32 $0xFFFFFFFF;
	p2 =	slt.u32 s8, $0xFFFFF086  }
0x1c: {  	p1 =	slt.u32 s9, $0xF7A;
	s5 =	simm.s32 @!p2 $0x0  }
0x1d: {  	s5 =	simm.s32 @p1 $0x1;
	p0 =	seq.s32 s7, s2  }
0x1e: {  	s7 =	smul.u32 @!p0 $0xF7A, s2;
	p2 =	seq.s32 @!p0 s5, $0x0  }
0x1f: {  	s9 =	smul.u32 $0xF7A, s1;
	s8 =	simm.s32 @!p0 $0x1BF5;
	p2 =	por !p2, p0  }
0x20: {  	[sflag:s8] =	ssyncset.s32 @!p0 $0xFFFFF086;
	s6 =	sadd.s32 @!p0 s3, s7;
	s7 =	simm.s32 @!p0 $0x108  }
0x21: {  	s3 =	sadd.s32 s3, s9;
	s6 =	sadd.s32 @!p0 $0x88, s6;
	s7 =	simm.s32 @p2 $0x1082  }
0x22: {  	[simem:s7], [sflag:s8] =	dma.local @!p0 [hbm:s6], $0xF7A  }
0x23: {  	s9 =	sor.u32 $0xD0000000, s2;
	s6 =	simm.s32 $0x108;
	_ =	swait.ge @!p0 [sflag:s8], $0x0  }
0x24: {  	s3 =	sadd.s32 $0x88, s3;
	s6 =	simm.s32 @!p1 $0x1082;
	[sflag:s4] =	ssyncset.s32 $0xFFFFF086  }
0x25: {  	[simem:s6], [sflag:s4] =	dma.local [hbm:s3], $0xF7A  }
0x26: {  	[smem:$0x3F9C] =	sst s1;
	(tag) =	ssettag s2;
	_ =	strace s9  }
0x27: {  	s1 =	sld [smem:$0x3FAC]  }
0x28: {  	s2 =	sld [smem:$0x3FAD]  }
0x29: {  	s4 =	sld [smem:$0x3FAF]  }
0x2a: {  	p0 =	seq.s32 s5, $0x0;
	s5 =	sld [smem:$0x3FB0]  }
0x2b: {  	s6 =	sld [smem:$0x3FB1]  }
0x2c: {  	s7 =	sld [smem:$0x3FB2]  }
0x2d: {  	s3 =	simm.s32 $0x108;
	s8 =	sld [smem:$0x3FB3]  }
0x2e: {  	s3 =	simm.s32 @!p0 $0x1082;
	s9 =	sld [smem:$0x3FB4]  }
0x2f: {  	lr =	sadd.s32 s0, s3;
	s0 =	sld [smem:$0x3FAB]  }
0x30: {  	s3 =	sld [smem:$0x3FAE]  }
0x31: {  	[smem:$0x3FB7] =	sst s10  }
0x32: {  	s10 =	sld [smem:$0x3FB5];
	_ =	sdelay $0x3  }
0x33: {  	p0 =	seq.s32 s10, $0x1;
	s10 =	sld [smem:$0x3FB7];
	_ =	sdelay $0x3  }
0x34: {  	[smem:$0x3FB7] =	sst s10  }
0x35: {  	s10 =	sld [smem:$0x3FB6];
	_ =	sdelay $0x3  }
0x36: {  	p1 =	seq.s32 s10, $0x1;
	s10 =	sld [smem:$0x3FB7];
	_ =	sdelay $0x3  }
0x37: {  	[smem:$0x3FB7] =	sst s10  }
0x38: {  	s10 =	sld [smem:$0x3FB8]  }
0x39: {  	_ = 	snop;
	(pc) =	sbr.ind lr, $3  }
0x3a: {  	_ = 	snop  }
0x3b: {  	_ = 	snop  }
0x3c: {  	p2 =	seq.s32 s10, $0x1;
	s10 =	sld [smem:$0x3FB7]  }
0x3d: {  	_ =	shalt  }
0x3e: {  	_ =	shalt  }
0x3f: {  	_ =	shalt  }
0x40: {  	_ =	shalt  }
0x41: {  	_ =	shalt  }
0x42: {  	_ =	shalt  }
0x43: {  	_ =	shalt  }
0x44: {  	_ =	shalt  }
0x45: {  	_ =	shalt  }
0x46: {  	_ =	shalt  }
0x47: {  	_ =	shalt  }
0x48: {  	_ =	shalt  }
0x49: {  	_ =	shalt  }
0x4a: {  	_ =	shalt  }
0x4b: {  	_ =	shalt  }
0x4c: {  	_ =	shalt  }
0x4d: {  	_ =	shalt  }
0x4e: {  	_ =	shalt  }
0x4f: {  	_ =	shalt  }
0x50: {  	_ =	shalt  }
0x51: {  	_ =	shalt  }
0x52: {  	_ =	shalt  }
0x53: {  	_ =	shalt  }
0x54: {  	_ =	shalt  }
0x55: {  	_ =	shalt  }
0x56: {  	_ =	shalt  }
0x57: {  	_ =	shalt  }
0x58: {  	_ =	shalt  }
0x59: {  	_ =	shalt  }
0x5a: {  	_ =	shalt  }
0x5b: {  	_ =	shalt  }
0x5c: {  	_ =	shalt  }
0x5d: {  	_ =	shalt  }
0x5e: {  	_ =	shalt  }
0x5f: {  	_ =	shalt  }
0x60: {  	_ =	shalt  }
0x61: {  	_ =	shalt  }
0x62: {  	_ =	shalt  }
0x63: {  	_ =	shalt  }
0x64: {  	_ =	shalt  }
0x65: {  	_ =	shalt  }
0x66: {  	_ =	shalt  }
0x67: {  	_ =	shalt  }
0x68: {  	_ =	shalt  }
0x69: {  	_ =	shalt  }
0x6a: {  	_ =	shalt  }
0x6b: {  	_ =	shalt  }
0x6c: {  	_ =	shalt  }
0x6d: {  	_ =	shalt  }
0x6e: {  	_ =	shalt  }
0x6f: {  	_ =	shalt  }
0x70: {  	_ =	shalt  }
0x71: {  	_ =	shalt  }
0x72: {  	_ =	shalt  }
0x73: {  	_ =	shalt  }
0x74: {  	_ =	shalt  }
0x75: {  	_ =	shalt  }
0x76: {  	_ =	shalt  }
0x77: {  	_ =	shalt  }
0x78: {  	_ =	shalt  }
0x79: {  	_ =	shalt  }
0x7a: {  	_ =	shalt  }
0x7b: {  	_ =	shalt  }
0x7c: {  	_ =	shalt  }
0x7d: {  	_ =	shalt  }
0x7e: {  	_ =	shalt  }
0x7f: {  	_ =	shalt  }
0x80: {  	_ =	shalt  }
0x81: {  	_ =	shalt  }
0x82: {  	_ =	shalt  }
0x83: {  	_ =	shalt  }
0x84: {  	_ =	shalt  }
0x85: {  	_ =	shalt  }
0x86: {  	_ =	shalt  }
0x87: {  	_ =	shalt  }
.Lfunc_end0:
.L_simem_size_0:
called_computation_lowered:
.L_overlay_start_0:
0x88: {  	s2 =	sld [smem:$0x3FD9]  }
0x89: {  	s3 =	sld [smem:$0x3FFE];
	_ =	sdelay $0x1  }
0x8a: {  	s1 =	srdreg.scid  }
0x8b: {  	s0 =	sand.u32 $0x1, s1  }
0x8c: {  	s17 =	sshll.u32 s0, $0xA;
	s2 =	sadd.s32 s3, s2  }
0x8d: {  	s2 =	sadd.s32 s2, s17  }
0x8e: {  	[smem:$0x3FC3] =	sst s2  }
0x8f: {  	_ = 	snop  }
0x90: {  	s2 =	sld [smem:$0x3FC9]  }
0x91: {  	s18 =	sld [smem:$0x3FD0];
	(tm) =	ssettm $0x1  }
0x92: {  	s4 =	sld [smem:$0x3FFB];
	_ =	sdelay $0x3  }
0x93: {  	_ =	strace s4  }
0x94: {  	s4 =	sld [smem:$0x3FFC];
	_ =	sdelay $0x3  }
0x95: {  	_ =	strace s4  }
0x96: {  	s4 =	sld [smem:$0x3FFD];
	_ =	sdelay $0x3  }
0x97: {  	_ =	strace s4  }
0x98: {  	_ =	strace $0x8FFFFFFF  }
0x99: {  	s19 =	sld [smem:$0x3FDB];
	_ =	sdelay $0x1  }
0x9a: {  	s5 =	simm.s32 $_scs_section_size  }
0x9b: {  	s6 =	simm.s32 $_size__tile_overlayer_lowered;
	s7 =	simm.s32 $_tile_overlayer_lowered  }
0x9c: {  	s22 =	simm.s32 $0x1BFF;
	s21 =	sshll.u32 s7, $0x1;
	s4 =	sadd.s32 s5, s19  }
0x9d: {  	s8 =	simm.s32 $0x0;
	s20 =	sshll.u32 s6, $0x1;
	s6 =	sadd.s32 s21, s4  }
0x9e: {  	[timem:s8], [sflag:s22] =	dma.local [hbm:s6], s20  }
0x9f: {  	_ =	swait.ge [sflag:s22], s20  }
0xa0: {  	s5 =	ssub.s32 $0x0, s20;
	[sflag:s22] =	ssyncset.done $0x0  }
0xa1: {  	[sflag:s22] =	ssyncadd.s32 s5;
	_ =	sdelay $0x1  }
0xa2: {  	s23 =	simm.s32 $0x1B8B  }
0xa3: {  	_ =	swait.ge [sflag:s23], $0x1  }
0xa4: {  	[sflag:s23] =	ssyncset.done $0x0  }
0xa5: {  	s25 =	simm.s32 $0x1B8E;
	s24 =	sld [smem:$0x3FFE];
	[sflag:s23] =	ssyncadd.s32 $0xFFFFFFFF  }
0xa6: {  	s26 =	simm.s32 $execute0_lowered;
	[smem:$0x3FD2] =	sst s25  }
0xa7: {  	s6 =	sshll.u32 s26, $0x1;
	_ =	strace $0x80000046;
	[dreg:$0x1] =	wrdreg $0xFFFFFFFF  }
0xa8: {  	s28 =	simm.s32 $_size_execute0_lowered;
	s4 =	sadd.s32 s4, s6;
	[dreg:$0x0] =	wrdreg $0x0  }
0xa9: {  	s6 =	sshll.u32 s28, $0x1;
	[dreg:$0x2] =	wrdreg s4  }
0xaa: {  	[dreg:$0x3] =	wrdreg s6  }
0xab: {  	[dreg:$0x4] =	wrdreg $0xC0  }
0xac: {  	_ =	task [dreg:s8], $0x5FFFF  }
0xad: {  	[dreg:$0x1] =	wrdreg $0xFFFFFFFF  }
0xae: {  	[dreg:$0x0] =	wrdreg $0x60  }
0xaf: {  	[dreg:$0x2] =	wrdreg s2  }
0xb0: {  	[dreg:$0x3] =	wrdreg s18  }
0xb1: {  	[dreg:$0x4] =	wrdreg s24  }
0xb2: {  	[dreg:$0x5] =	wrdreg $0x9  }
0xb3: {  	_ =	task.clear_ibuf [dreg:s8], $0x6FFFF;
	_ =	strace $0x90000046  }
0xb4: {  	s29 =	simm.s32 $0x9;
	_ =	strace $0x80000048  }
0xb5: {  	_ =	swait.ge [sflag:s29], $0x1  }
0xb6: {  	[sflag:s29] =	ssyncadd.s32 $0xFFFFFFFF  }
0xb7: {  	_ =	strace $0x90000048  }
0xb8: {  	_ =	sfence  }
0xb9: {  	s30 =	sld [smem:$0x0];
	_ =	sdelay $0x2  }
0xba: {  	s31 =	sshll.u32 s1, $0xD;
	s1 =	sshrl.u32 s1, $0x2  }
0xbb: {  	s3 =	sand.u32 $0x4000, s31;
	s1 =	sadd.s32 s1, s30  }
0xbc: {  	s0 =	sor.u32 s3, s0;
	s1 =	sshll.u32 s1, $0x11  }
0xbd: {  	s0 =	sor.u32 s1, s0  }
0xbe: {  	s0 =	sadd.s32 $0x8F2B, s0  }
0xbf: {  	[sflag:s0] =	ssyncadd.remote.s32 $0x1  }
0xc0: {  	_ =	sfence.sel $0xFFFF  }
0xc1: {  	[dreg:$0x0] =	wrdreg $0xFFFFFFFF;
	(pc) =	sbr.abs _section_cstart, $3  }
0xc2: {  	[dreg:$0x1] =	wrdreg $0xFFFFFFFF  }
0xc3: {  	_ =	task.clear_ibuf [dreg:s8], $0x2FFFF;
	_ =	strace $0x9FFFFFFF  }
0xc4: {  	(tm) =	ssettm $0x7FFFFFFF  }
0xc5: {  	_ =	shalt  }
tec
execute0_lowered:
.L_overlay_start_1:
0x0: {  	(tag) =	ssettag $0x1  }
0x1: {  	s6 =	rddreg [dreg:$0x0]  }
0x2: {  	s4 =	rddreg [dreg:$0x1]  }
0x3: {  	s8 =	rddreg [dreg:$0x2];
	s2 =	simm.s32 $0x0  }
0x4: {  	s3 =	srdreg.scid;
	s0 =	stileid.u32;
	s14 =	simm.s32 $0x2  }
0x5: {  	s15 =	simm.s32 $0x3;
	s16 =	simm.s32 $0x1;
	s17 =	simm.s32 $0x7800  }
0x6: {  	s18 =	simm.s32 $0x8000;
	s19 =	simm.s32 $0x8800;
	s20 =	simm.s32 $0x9000  }
0x7: {  	s21 =	simm.s32 $0x9800;
	s22 =	simm.s32 $0x0;
	[smem:$0x7FF] =	sst s2  }
0x8: {  	s5 =	sand.u32 $0x1, s3;
	s28 =	sshll.u32 s0, $0x1;
	s13 =	smul.u32 $0x30000, s0  }
0x9: {  	_ =	strace $0x80000047;
	s3 =	sor.u32 s5, s28;
	s29 =	smul.u32 $0x18000, s5  }
0xa: {  	s9 =	ssub.s32 $0x2, s5;
	s7 =	sshll.u32 s3, $0xA;
	s10 =	smul.u32 $0x18000, s3  }
0xb: {  	s12 =	sshrl.u32 s9, $0x1;
	s3 =	sadd.s32 $0xA200, s8;
	s30 =	sadd.s32 s13, s6  }
0xc: {  	s13 =	simm.s32 $0x7000;
	s11 =	sadd.s32 s7, s8;
	s9 =	ssub.s32 s9, s12  }
0xd: {  	v2 =	vlaneseq.u32;
	s4 =	sadd.s32 s4, s7;
	s7 =	sadd.s32 $0xA300, s8;
	s31 =	sadd.s32 s29, s30  }
0xe: {  	vm0 =	vmmov $0xffff;
	v1 =	vshrl.u32 v2, $0x3;
	s8 =	sadd.s32 $0xA400, s8;
	s5 =	sadd.s32 $0x2200, s11;
	s6 =	sadd.s32 s6, s10  }
0xf: {  	v0 =	vand.u32 $0x7, v2;
	v2 =	vor.u32 $0x8, v2;
	v1 =	vmul.u32 $0x8, v1;
	s9 =	smax.u32 s9, $0x1;
	s10 =	sadd.s32 $0x600, s31;
	s11 =	simm.s32 $0x4  }
.LBB2_1:
0x10: {  	[tilespmem:s2], [sflag:$0x4] =	stream.linear.gather [hbm4b:s4+s2], $0x2000, $0x38;
	[tilespmem:$0xA000] =	vst v63  }
0x11: {  	_ =	swait.ge [sflag:s11], $0x2000  }
0x12: {  	[sflag:s11] =	ssyncset.done $0x0  }
0x13: {  	s23 =	simm.s32 $0x2000;
	[sflag:s11] =	ssyncadd.s32 $0xFFFFE000  }
0x14: {  	[tilespmem:s23], [sflag:$0x4] =	stream.linear.gather [hbm4b:s5+s2], $0x2000, $0x38;
	[tilespmem:$0xA000] =	vst v63  }
0x15: {  	_ =	swait.ge [sflag:s11], $0x2000  }
0x16: {  	[sflag:s11] =	ssyncset.done $0x0  }
0x17: {  	s0 =	simm.s32 $0x4000;
	[sflag:s11] =	ssyncadd.s32 $0xFFFFE000  }
0x18: {  	[tilespmem:s0], [sflag:$0x1] =	stream.linear.gather [hbm4b:s6+s2], $0x3000, $0x38;
	[tilespmem:$0xA000] =	vst v63  }
0x19: {  	s24 =	sand.u32 $0x1, s16;
	_ =	swait.ge [sflag:s16], $0x3000  }
0x1a: {  	p0 =	seq.s32 s24, $0x1;
	s24 =	simm.s32 $0x7000;
	[sflag:s16] =	ssyncset.done $0x0  }
0x1b: {  	s24 =	simm.s32 @!p0 $0x4000;
	[sflag:s16] =	ssyncadd.s32 $0xFFFFD000  }
0x1c: {  	[tilespmem:s24], [sflag:$0x1] =	stream.linear.gather [hbm4b:s10+s2], $0x3000, $0x38;
	[tilespmem:$0xA000] =	vst v63  }
0x1d: {  	v3 =	vld [tilespmem:s2+$0x0];
	_ =	sdelay $0x4  }
0x1e: {  	v4 =	vshrl.u32 v3, $0x3  }
0x1f: {  	v4 =	vmul.u32 $0x30, v4  }
0x20: {  	v3 =	vand.u32 $0x7, v3  }
0x21: {  	v3 =	vor.u32 v3, v4  }
0x22: {  	v4 =	vperm.xlane v3, v0;
	_ =	sdelay $0x1  }
0x23: {  	v4 =	vadd.s32 v1, v4;
	_ =	sdelay $0x1  }
0x24: {  	s24 =	simm.s32 $0x0  }
0x25: {  	s24 =	simm.s32 @!p0 $0x3000  }
0x26: {  	s25 =	sor.u32 $0x4000, s24;
	v3 =	vperm.xlane v3, v2  }
0x27: {  	[hbm4b:s3+s2] =	stream.indirect_vreg.scatter [tilespmem:s25], [sflag:$0x2], $0x80, v4, vm0, $0xb8;
	[tilespmem:$0xA000] =	vst v63  }
0x28: {  	s26 =	sor.u32 $0x4800, s24;
	v3 =	vadd.s32 v1, v3  }
0x29: {  	[hbm4b:s7+s2] =	stream.indirect_vreg.scatter [tilespmem:s26], [sflag:$0x2], $0x80, v4, vm0, $0xb8;
	[tilespmem:$0xA000] =	vst v63  }
0x2a: {  	s28 =	sadd.s32 $0x5000, s24  }
0x2b: {  	[hbm4b:s8+s2] =	stream.indirect_vreg.scatter [tilespmem:s28], [sflag:$0x2], $0x80, v4, vm0, $0xb8;
	[tilespmem:$0xA000] =	vst v63  }
0x2c: {  	s29 =	sadd.s32 $0x5800, s24  }
0x2d: {  	[hbm4b:s3+s2] =	stream.indirect_vreg.scatter [tilespmem:s29], [sflag:$0x2], $0x80, v3, vm0, $0xb8;
	[tilespmem:$0xA000] =	vst v63  }
0x2e: {  	s30 =	sadd.s32 $0x6000, s24  }
0x2f: {  	[hbm4b:s7+s2] =	stream.indirect_vreg.scatter [tilespmem:s30], [sflag:$0x2], $0x80, v3, vm0, $0xb8;
	[tilespmem:$0xA000] =	vst v63  }
0x30: {  	s24 =	sadd.s32 $0x6800, s24  }
0x31: {  	[hbm4b:s8+s2] =	stream.indirect_vreg.scatter [tilespmem:s24], [sflag:$0x2], $0x80, v3, vm0, $0xb8;
	[tilespmem:$0xA000] =	vst v63  }
0x32: {  	v3 =	vld [tilespmem:s23+$0x0];
	_ =	sdelay $0x4  }
0x33: {  	v63 =	vshrl.u32 v3, $0x3  }
0x34: {  	v4 =	vmul.u32 $0x30, v63  }
0x35: {  	v3 =	vand.u32 $0x7, v3  }
0x36: {  	v3 =	vor.u32 v3, v4  }
0x37: {  	v4 =	vperm.xlane v3, v0;
	_ =	sdelay $0x1  }
0x38: {  	v4 =	vadd.s32 v1, v4;
	_ =	sdelay $0x3  }
0x39: {  	v3 =	vperm.xlane v3, v2  }
0x3a: {  	[hbm4b:s3+s2] =	stream.indirect_vreg.scatter [tilespmem:s25], [sflag:$0x3], $0x80, v4, vm0, $0xb8;
	[tilespmem:$0xA000] =	vst v63  }
0x3b: {  	v3 =	vadd.s32 v1, v3  }
0x3c: {  	[hbm4b:s7+s2] =	stream.indirect_vreg.scatter [tilespmem:s26], [sflag:$0x3], $0x80, v4, vm0, $0xb8;
	[tilespmem:$0xA000] =	vst v63  }
0x3d: {  	_ = 	snop  }
0x3e: {  	[hbm4b:s8+s2] =	stream.indirect_vreg.scatter [tilespmem:s28], [sflag:$0x3], $0x80, v4, vm0, $0xb8;
	[tilespmem:$0xA000] =	vst v63  }
0x3f: {  	_ = 	snop  }
0x40: {  	[hbm4b:s3+s2] =	stream.indirect_vreg.scatter [tilespmem:s29], [sflag:$0x3], $0x80, v3, vm0, $0xb8;
	[tilespmem:$0xA000] =	vst v63  }
0x41: {  	_ = 	snop  }
0x42: {  	[hbm4b:s7+s2] =	stream.indirect_vreg.scatter [tilespmem:s30], [sflag:$0x3], $0x80, v3, vm0, $0xb8;
	[tilespmem:$0xA000] =	vst v63  }
0x43: {  	_ = 	snop  }
0x44: {  	[hbm4b:s8+s2] =	stream.indirect_vreg.scatter [tilespmem:s24], [sflag:$0x3], $0x80, v3, vm0, $0xb8;
	[tilespmem:$0xA000] =	vst v63  }
0x45: {  	_ =	swait.ge [sflag:s14], $0x3000  }
0x46: {  	[sflag:s14] =	ssyncset.done $0x0  }
0x47: {  	[sflag:s14] =	ssyncadd.s32 $0xFFFFD000  }
0x48: {  	_ =	swait.ge [sflag:s15], $0x3000  }
0x49: {  	s23 =	simm.s32 $0x2080;
	[sflag:s15] =	ssyncset.done $0x0  }
0x4a: {  	s25 =	simm.s32 $0x80;
	s30 =	simm.s32 $0x2;
	[sflag:s15] =	ssyncadd.s32 $0xFFFFD000  }
0x4b: {  	s29 =	simm.s32 $0x3;
	s31 =	sand.u32 $0x1, s30;
	_ =	swait.ge [sflag:s16], $0x3000  }
0x4c: {  	s24 =	sadd.s32 $0x600, s10;
	p1 =	seq.s32 s31, $0x1;
	[sflag:s16] =	ssyncset.done $0x0  }
.LBB2_2:
0x4d: {  	s30 =	simm.s32 $0x7000;
	[sflag:s16] =	ssyncadd.s32 $0xFFFFD000  }
0x4e: {  	s28 =	smov.u32 s29;
	s26 =	sadd.s32 $0x1, s29;
	s30 =	simm.s32 @!p1 $0x4000  }
0x4f: {  	[tilespmem:s30], [sflag:$0x1] =	stream.linear.gather [hbm4b:s24+s2], $0x3000, $0x38;
	[tilespmem:$0xA000] =	vst v63  }
0x50: {  	p0 =	sne.s32 s29, $0x3F;
	v3 =	vld [tilespmem:s25+$0x0];
	_ =	sdelay $0x4  }
0x51: {  	v4 =	vshrl.u32 v3, $0x3  }
0x52: {  	v4 =	vmul.u32 $0x30, v4  }
0x53: {  	v3 =	vand.u32 $0x7, v3  }
0x54: {  	v3 =	vor.u32 v3, v4  }
0x55: {  	v4 =	vperm.xlane v3, v0;
	v3 =	vperm.xlane v3, v2;
	_ =	sdelay $0x1  }
0x56: {  	v4 =	vadd.s32 v1, v4;
	_ =	sdelay $0x1  }
0x57: {  	s29 =	simm.s32 $0x0  }
0x58: {  	s29 =	simm.s32 @!p1 $0x3000  }
0x59: {  	s30 =	sor.u32 $0x4000, s29  }
0x5a: {  	[hbm4b:s3+s2] =	stream.indirect_vreg.scatter [tilespmem:s30], [sflag:$0x2], $0x80, v4, vm0, $0xb8;
	[tilespmem:$0xA000] =	vst v63  }
0x5b: {  	s31 =	sor.u32 $0x4800, s29;
	v3 =	vadd.s32 v1, v3  }
0x5c: {  	[hbm4b:s7+s2] =	stream.indirect_vreg.scatter [tilespmem:s31], [sflag:$0x2], $0x80, v4, vm0, $0xb8;
	[tilespmem:$0xA000] =	vst v63  }
0x5d: {  	s0 =	sadd.s32 $0x5000, s29  }
0x5e: {  	[hbm4b:s8+s2] =	stream.indirect_vreg.scatter [tilespmem:s0], [sflag:$0x2], $0x80, v4, vm0, $0xb8;
	[tilespmem:$0xA000] =	vst v63  }
0x5f: {  	s1 =	sadd.s32 $0x5800, s29  }
0x60: {  	[hbm4b:s3+s2] =	stream.indirect_vreg.scatter [tilespmem:s1], [sflag:$0x2], $0x80, v3, vm0, $0xb8;
	[tilespmem:$0xA000] =	vst v63  }
0x61: {  	s12 =	sadd.s32 $0x6000, s29  }
0x62: {  	[hbm4b:s7+s2] =	stream.indirect_vreg.scatter [tilespmem:s12], [sflag:$0x2], $0x80, v3, vm0, $0xb8;
	[tilespmem:$0xA000] =	vst v63  }
0x63: {  	s29 =	sadd.s32 $0x6800, s29  }
0x64: {  	[hbm4b:s8+s2] =	stream.indirect_vreg.scatter [tilespmem:s29], [sflag:$0x2], $0x80, v3, vm0, $0xb8;
	[tilespmem:$0xA000] =	vst v63  }
0x65: {  	v3 =	vld [tilespmem:s23+$0x0];
	_ =	sdelay $0x4  }
0x66: {  	v4 =	vshrl.u32 v3, $0x3  }
0x67: {  	v4 =	vmul.u32 $0x30, v4  }
0x68: {  	v3 =	vand.u32 $0x7, v3  }
0x69: {  	v3 =	vor.u32 v3, v4  }
0x6a: {  	v4 =	vperm.xlane v3, v0;
	v3 =	vperm.xlane v3, v2;
	_ =	sdelay $0x1  }
0x6b: {  	v4 =	vadd.s32 v1, v4;
	_ =	sdelay $0x4  }
0x6c: {  	[hbm4b:s3+s2] =	stream.indirect_vreg.scatter [tilespmem:s30], [sflag:$0x3], $0x80, v4, vm0, $0xb8;
	[tilespmem:$0xA000] =	vst v63  }
0x6d: {  	v3 =	vadd.s32 v1, v3  }
0x6e: {  	[hbm4b:s7+s2] =	stream.indirect_vreg.scatter [tilespmem:s31], [sflag:$0x3], $0x80, v4, vm0, $0xb8;
	[tilespmem:$0xA000] =	vst v63  }
0x6f: {  	_ = 	snop  }
0x70: {  	[hbm4b:s8+s2] =	stream.indirect_vreg.scatter [tilespmem:s0], [sflag:$0x3], $0x80, v4, vm0, $0xb8;
	[tilespmem:$0xA000] =	vst v63  }
0x71: {  	_ = 	snop  }
0x72: {  	[hbm4b:s3+s2] =	stream.indirect_vreg.scatter [tilespmem:s1], [sflag:$0x3], $0x80, v3, vm0, $0xb8;
	[tilespmem:$0xA000] =	vst v63  }
0x73: {  	_ = 	snop  }
0x74: {  	[hbm4b:s7+s2] =	stream.indirect_vreg.scatter [tilespmem:s12], [sflag:$0x3], $0x80, v3, vm0, $0xb8;
	[tilespmem:$0xA000] =	vst v63  }
0x75: {  	_ = 	snop  }
0x76: {  	[hbm4b:s8+s2] =	stream.indirect_vreg.scatter [tilespmem:s29], [sflag:$0x3], $0x80, v3, vm0, $0xb8;
	[tilespmem:$0xA000] =	vst v63  }
0x77: {  	_ =	swait.ge [sflag:s14], $0x3000  }
0x78: {  	[sflag:s14] =	ssyncset.done $0x0  }
0x79: {  	[sflag:s14] =	ssyncadd.s32 $0xFFFFD000  }
.Ltmp0:
0x7a: {  	_ =	swait.ge [sflag:s15], $0x3000;
	(pc) =	sbr.rel @p0 .LBB2_2-.Ltmp0, $4  }
0x7b: {  	[sflag:s15] =	ssyncset.done $0x0  }
0x7c: {  	s24 =	sadd.s32 $0x600, s24;
	s25 =	sadd.s32 $0x80, s25;
	[sflag:s15] =	ssyncadd.s32 $0xFFFFD000  }
0x7d: {  	s23 =	sadd.s32 $0x80, s23;
	s0 =	sand.u32 $0x1, s28;
	_ =	swait.ge [sflag:s16], $0x3000  }
0x7e: {  	p1 =	seq.s32 s0, $0x1;
	s29 =	smov.u32 s26;
	[sflag:s16] =	ssyncset.done $0x0  }
0x7f: {  	s0 =	simm.s32 $0x7000  }
0x80: {  	[sflag:s16] =	ssyncadd.s32 $0xFFFFD000;
	s0 =	simm.s32 @!p1 $0x4000  }
0x81: {  	[tilespmem:s0], [sflag:$0x1] =	stream.linear.gather [hbm4b:s24+s2], $0x3000, $0x38;
	[tilespmem:$0xA000] =	vst v63  }
0x82: {  	v3 =	vld [tilespmem:s25+$0x0];
	_ =	sdelay $0x4  }
0x83: {  	v4 =	vshrl.u32 v3, $0x3  }
0x84: {  	v4 =	vmul.u32 $0x30, v4  }
0x85: {  	v3 =	vand.u32 $0x7, v3  }
0x86: {  	v3 =	vor.u32 v3, v4  }
0x87: {  	v4 =	vperm.xlane v3, v0;
	_ =	sdelay $0x1  }
0x88: {  	v4 =	vadd.s32 v1, v4;
	_ =	sdelay $0x1  }
0x89: {  	s0 =	simm.s32 $0x0  }
0x8a: {  	s0 =	simm.s32 @!p1 $0x3000  }
0x8b: {  	s1 =	sor.u32 $0x4000, s0;
	v3 =	vperm.xlane v3, v2  }
0x8c: {  	[hbm4b:s3+s2] =	stream.indirect_vreg.scatter [tilespmem:s1], [sflag:$0x2], $0x80, v4, vm0, $0xb8;
	[tilespmem:$0xA000] =	vst v63  }
0x8d: {  	s12 =	sor.u32 $0x4800, s0;
	v3 =	vadd.s32 v1, v3  }
0x8e: {  	[hbm4b:s7+s2] =	stream.indirect_vreg.scatter [tilespmem:s12], [sflag:$0x2], $0x80, v4, vm0, $0xb8;
	[tilespmem:$0xA000] =	vst v63  }
0x8f: {  	s30 =	sadd.s32 $0x5000, s0  }
0x90: {  	[hbm4b:s8+s2] =	stream.indirect_vreg.scatter [tilespmem:s30], [sflag:$0x2], $0x80, v4, vm0, $0xb8;
	[tilespmem:$0xA000] =	vst v63  }
0x91: {  	s31 =	sadd.s32 $0x5800, s0  }
0x92: {  	[hbm4b:s3+s2] =	stream.indirect_vreg.scatter [tilespmem:s31], [sflag:$0x2], $0x80, v3, vm0, $0xb8;
	[tilespmem:$0xA000] =	vst v63  }
0x93: {  	s26 =	sadd.s32 $0x6000, s0  }
0x94: {  	[hbm4b:s7+s2] =	stream.indirect_vreg.scatter [tilespmem:s26], [sflag:$0x2], $0x80, v3, vm0, $0xb8;
	[tilespmem:$0xA000] =	vst v63  }
0x95: {  	s0 =	sadd.s32 $0x6800, s0  }
0x96: {  	[hbm4b:s8+s2] =	stream.indirect_vreg.scatter [tilespmem:s0], [sflag:$0x2], $0x80, v3, vm0, $0xb8;
	[tilespmem:$0xA000] =	vst v63  }
0x97: {  	v3 =	vld [tilespmem:s23+$0x0];
	_ =	sdelay $0x4  }
0x98: {  	v61 =	vshrl.u32 v3, $0x3  }
0x99: {  	v4 =	vmul.u32 $0x30, v61  }
0x9a: {  	v3 =	vand.u32 $0x7, v3  }
0x9b: {  	v3 =	vor.u32 v3, v4  }
0x9c: {  	v4 =	vperm.xlane v3, v0;
	_ =	sdelay $0x1  }
0x9d: {  	v4 =	vadd.s32 v1, v4;
	_ =	sdelay $0x3  }
0x9e: {  	v3 =	vperm.xlane v3, v2  }
0x9f: {  	[hbm4b:s3+s2] =	stream.indirect_vreg.scatter [tilespmem:s1], [sflag:$0x3], $0x80, v4, vm0, $0xb8;
	[tilespmem:$0xA000] =	vst v63  }
0xa0: {  	v3 =	vadd.s32 v1, v3  }
0xa1: {  	[hbm4b:s7+s2] =	stream.indirect_vreg.scatter [tilespmem:s12], [sflag:$0x3], $0x80, v4, vm0, $0xb8;
	[tilespmem:$0xA000] =	vst v63  }
0xa2: {  	_ = 	snop  }
0xa3: {  	[hbm4b:s8+s2] =	stream.indirect_vreg.scatter [tilespmem:s30], [sflag:$0x3], $0x80, v4, vm0, $0xb8;
	[tilespmem:$0xA000] =	vst v63  }
0xa4: {  	_ = 	snop  }
0xa5: {  	[hbm4b:s3+s2] =	stream.indirect_vreg.scatter [tilespmem:s31], [sflag:$0x3], $0x80, v3, vm0, $0xb8;
	[tilespmem:$0xA000] =	vst v63  }
0xa6: {  	_ = 	snop  }
0xa7: {  	[hbm4b:s7+s2] =	stream.indirect_vreg.scatter [tilespmem:s26], [sflag:$0x3], $0x80, v3, vm0, $0xb8;
	[tilespmem:$0xA000] =	vst v63  }
0xa8: {  	_ = 	snop  }
0xa9: {  	[hbm4b:s8+s2] =	stream.indirect_vreg.scatter [tilespmem:s0], [sflag:$0x3], $0x80, v3, vm0, $0xb8;
	[tilespmem:$0xA000] =	vst v63  }
0xaa: {  	_ =	swait.ge [sflag:s14], $0x3000  }
0xab: {  	[sflag:s14] =	ssyncset.done $0x0  }
0xac: {  	[sflag:s14] =	ssyncadd.s32 $0xFFFFD000  }
0xad: {  	_ =	swait.ge [sflag:s15], $0x3000  }
0xae: {  	[sflag:s15] =	ssyncset.done $0x0  }
0xaf: {  	[sflag:s15] =	ssyncadd.s32 $0xFFFFD000  }
0xb0: {  	_ =	swait.ge [sflag:s16], $0x3000  }
0xb1: {  	[sflag:s16] =	ssyncset.done $0x0  }
0xb2: {  	[sflag:s16] =	ssyncadd.s32 $0xFFFFD000  }
0xb3: {  	v3 =	vld [tilespmem:$0x1F80];
	_ =	sdelay $0x4  }
0xb4: {  	v62 =	vshrl.u32 v3, $0x3  }
0xb5: {  	v4 =	vmul.u32 $0x30, v62  }
0xb6: {  	v3 =	vand.u32 $0x7, v3  }
0xb7: {  	v3 =	vor.u32 v3, v4  }
0xb8: {  	v4 =	vperm.xlane v3, v0;
	_ =	sdelay $0x1  }
0xb9: {  	v4 =	vadd.s32 v1, v4;
	_ =	sdelay $0x3  }
0xba: {  	v3 =	vperm.xlane v3, v2  }
0xbb: {  	[hbm4b:s3+s2] =	stream.indirect_vreg.scatter [tilespmem:s13], [sflag:$0x2], $0x80, v4, vm0, $0xb8;
	[tilespmem:$0xA000] =	vst v63  }
0xbc: {  	v3 =	vadd.s32 v1, v3  }
0xbd: {  	[hbm4b:s7+s2] =	stream.indirect_vreg.scatter [tilespmem:s17], [sflag:$0x2], $0x80, v4, vm0, $0xb8;
	[tilespmem:$0xA000] =	vst v63  }
0xbe: {  	_ = 	snop  }
0xbf: {  	[hbm4b:s8+s2] =	stream.indirect_vreg.scatter [tilespmem:s18], [sflag:$0x2], $0x80, v4, vm0, $0xb8;
	[tilespmem:$0xA000] =	vst v63  }
0xc0: {  	_ = 	snop  }
0xc1: {  	[hbm4b:s3+s2] =	stream.indirect_vreg.scatter [tilespmem:s19], [sflag:$0x2], $0x80, v3, vm0, $0xb8;
	[tilespmem:$0xA000] =	vst v63  }
0xc2: {  	_ = 	snop  }
0xc3: {  	[hbm4b:s7+s2] =	stream.indirect_vreg.scatter [tilespmem:s20], [sflag:$0x2], $0x80, v3, vm0, $0xb8;
	[tilespmem:$0xA000] =	vst v63  }
0xc4: {  	_ = 	snop  }
0xc5: {  	[hbm4b:s8+s2] =	stream.indirect_vreg.scatter [tilespmem:s21], [sflag:$0x2], $0x80, v3, vm0, $0xb8;
	[tilespmem:$0xA000] =	vst v63  }
0xc6: {  	v3 =	vld [tilespmem:$0x3F80];
	_ =	sdelay $0x4  }
0xc7: {  	v63 =	vshrl.u32 v3, $0x3  }
0xc8: {  	v4 =	vmul.u32 $0x30, v63  }
0xc9: {  	v3 =	vand.u32 $0x7, v3  }
0xca: {  	v3 =	vor.u32 v3, v4  }
0xcb: {  	v4 =	vperm.xlane v3, v0;
	_ =	sdelay $0x1  }
0xcc: {  	v4 =	vadd.s32 v1, v4;
	_ =	sdelay $0x3  }
0xcd: {  	v3 =	vperm.xlane v3, v2  }
0xce: {  	[hbm4b:s3+s2] =	stream.indirect_vreg.scatter [tilespmem:s13], [sflag:$0x3], $0x80, v4, vm0, $0xb8;
	[tilespmem:$0xA000] =	vst v63  }
0xcf: {  	v3 =	vadd.s32 v1, v3  }
0xd0: {  	[hbm4b:s7+s2] =	stream.indirect_vreg.scatter [tilespmem:s17], [sflag:$0x3], $0x80, v4, vm0, $0xb8;
	[tilespmem:$0xA000] =	vst v63  }
0xd1: {  	_ = 	snop  }
0xd2: {  	[hbm4b:s8+s2] =	stream.indirect_vreg.scatter [tilespmem:s18], [sflag:$0x3], $0x80, v4, vm0, $0xb8;
	[tilespmem:$0xA000] =	vst v63  }
0xd3: {  	_ = 	snop  }
0xd4: {  	[hbm4b:s3+s2] =	stream.indirect_vreg.scatter [tilespmem:s19], [sflag:$0x3], $0x80, v3, vm0, $0xb8;
	[tilespmem:$0xA000] =	vst v63  }
0xd5: {  	_ = 	snop  }
0xd6: {  	[hbm4b:s7+s2] =	stream.indirect_vreg.scatter [tilespmem:s20], [sflag:$0x3], $0x80, v3, vm0, $0xb8;
	[tilespmem:$0xA000] =	vst v63  }
0xd7: {  	s22 =	sadd.s32 $0x1, s22  }
0xd8: {  	[hbm4b:s8+s2] =	stream.indirect_vreg.scatter [tilespmem:s21], [sflag:$0x3], $0x80, v3, vm0, $0xb8;
	[tilespmem:$0xA000] =	vst v63  }
0xd9: {  	p0 =	sne.s32 s22, s9;
	_ =	swait.ge [sflag:s14], $0x3000  }
.Ltmp1:
0xda: {  	[sflag:s14] =	ssyncset.done $0x0;
	(pc) =	sbr.rel @p0 .LBB2_1-.Ltmp1, $4  }
0xdb: {  	[sflag:s14] =	ssyncadd.s32 $0xFFFFD000  }
0xdc: {  	_ =	swait.ge [sflag:s15], $0x3000  }
0xdd: {  	[sflag:s15] =	ssyncset.done $0x0  }
0xde: {  	[sflag:s15] =	ssyncadd.s32 $0xFFFFD000  }
0xdf: {  	_ =	sfence.sel $0x180000  }
0xe0: {  	[bflag:$0x0] =	sbarrier.arrive $0xFFFF  }
0xe1: {  	_ =	strace $0x90000047  }
0xe2: {  	s0 =	stileid.u32;
	[bflag:$0x2] =	sbarrier.arrive $0xFFFF  }
0xe3: {  	p0 =	sne.s32 s0, $0x0;
	s0 =	rddreg [dreg:$0x3]  }
0xe4: {  	s0 =	sadd.s32 @!p0 $0x100000, s0  }
0xe5: {  	[sflag:s0] =	ssyncadd.tile.s32 @!p0 $0x1;
	_ =	shalt  }
.Lfunc_end2:
_tile_overlayer_lowered:
.L_overlay_start_2:
0xe6: {  	(tag) =	ssettag $0x2  }
0xe7: {  	s0 =	rddreg [dreg:$0x0];
	s2 =	stileid.u32  }
0xe8: {  	s1 =	rddreg [dreg:$0x1];
	p0 =	sne.s32 s2, $0x0  }
0xe9: {  	s3 =	rddreg [dreg:$0x2];
	[bflag:$0x3] =	sbarrier.arrive $0xFFFF;
	s2 =	simm.s32 @!p0 $0x1C04  }
0xea: {  	[timem:s3], [sflag:s2] =	dma.local @!p0 [hbm:s0], s1  }
0xeb: {  	s0 =	simm.s32 @!p0 $0x4  }
0xec: {  	_ =	swait.ge @!p0 [sflag:s0], s1  }
0xed: {  	s1 =	ssub.s32 @!p0 $0x0, s1;
	[sflag:s0] =	ssyncset.done @!p0 $0x0  }
0xee: {  	[sflag:s0] =	ssyncadd.s32 @!p0 s1  }
0xef: {  	[bflag:$0x3] =	sbarrier.arrive $0xFFFF  }
0xf0: {  	_ =	shalt  }

</sc_bundles>
